<compile_context>
chip_gen: v7x
topology: tpu7x:2x2x1
jax: 0.10.2.dev20260603
libtpu: 0.0.44.dev20260713+nightly
codegen_flags: <defaults>
</compile_context>

<pallas_src>
import functools

import jax
import jax.numpy as jnp
from jax import lax
from jax.experimental import pallas as pl
from jax.experimental.pallas import tpu as pltpu
from jax.experimental.pallas import tpu_sc as plsc

_COUNT = 10
_BUCKET_SIZE = 3
_LANES = 16
_NC, _NS = 2, 16
_NW = _NC * _NS


def _make_sc_kernel(batch, d):
    chunk = batch // _NW
    groups = chunk // _LANES
    mesh = plsc.VectorSubcoreMesh(
        core_axis_name="c", subcore_axis_name="s",
        num_cores=_NC, num_subcores=_NS,
    )

    @functools.partial(
        pl.kernel,
        mesh=mesh,
        compiler_params=pltpu.CompilerParams(needs_layout_passes=False),
        out_type=jax.ShapeDtypeStruct((batch,), jnp.float32),
        scratch_types=[
            pltpu.VMEM((chunk * d,), jnp.float32),
            pltpu.VMEM((_COUNT * d,), jnp.float32),
            pltpu.VMEM((_COUNT,), jnp.float32),
            pltpu.VMEM((chunk,), jnp.int32),
            pltpu.VMEM((chunk,), jnp.float32),
        ],
    )
    def _sc_kernel(x_hbm, ply_hbm, w_hbm, b_hbm, out_hbm, x_v, w_v, b_v, ply_v, res_v):
        wid = lax.axis_index("s") * _NC + lax.axis_index("c")
        base = wid * chunk
        pltpu.sync_copy(x_hbm.at[pl.ds(base * d, chunk * d)], x_v)
        pltpu.sync_copy(w_hbm, w_v)
        pltpu.sync_copy(b_hbm, b_v)
        pltpu.sync_copy(ply_hbm.at[pl.ds(base, chunk)], ply_v)

        lane = lax.iota(jnp.int32, _LANES)
        three = jnp.full((_LANES,), _BUCKET_SIZE, jnp.int32)
        dsplat = jnp.full((_LANES,), d, jnp.int32)
        lane_d = lax.mul(lane, dsplat)

        def body(g, carry):
            c = lax.div(ply_v[pl.ds(lax.mul(g, _LANES), _LANES)], three)
            wb = lax.mul(c, dsplat)
            g_off = lax.broadcast(lax.mul(g, _LANES * d), (_LANES,))
            rb = lax.add(lane_d, g_off)
            acc = jnp.zeros((_LANES,), jnp.float32)
            for k in range(d):
                ks = jnp.full((_LANES,), k, jnp.int32)
                xv = plsc.load_gather(x_v, [lax.add(rb, ks)])
                wv = plsc.load_gather(w_v, [lax.add(wb, ks)])
                acc = lax.add(acc, lax.mul(xv, wv))
            bv = plsc.load_gather(b_v, [c])
            res_v[pl.ds(lax.mul(g, _LANES), _LANES)] = lax.add(acc, bv)
            return carry

        lax.fori_loop(0, groups, body, 0)
        pltpu.sync_copy(res_v, out_hbm.at[pl.ds(base, chunk)])

    return _sc_kernel


def kernel(x, ply, W, b):
    batch, d = x.shape
    out = _make_sc_kernel(batch, d)(x.reshape(-1), ply, W.reshape(-1), b)
    return out.reshape(batch, 1)

# --- scband reference (transcript-rebuilt; emitter-appended) ---
"""Pipeline reference for scband-layer-stacks-47974784696699 (READ-ONLY COPY).

The authoritative reference and input builder live on the scoring server;
editing this copy changes nothing except your own understanding.
"""

import jax, jax.numpy as jnp
import numpy as np

COUNT = 10
LOUTPUT = 128
MAX_PLY = 30
BUCKET_SIZE = MAX_PLY // COUNT  # 3
BATCH = 16384


def setup_inputs(seed: int = 0) -> dict:
    key = jax.random.key(seed)
    k1, k2, k3 = jax.random.split(key, 3)
    x = jax.random.normal(k1, (BATCH, LOUTPUT), dtype=jnp.float32)
    ply = jax.random.randint(k2, (BATCH,), 0, MAX_PLY, dtype=jnp.int32)
    # StackedLinear(LOUTPUT, 1, COUNT) is implemented as nn.Linear(LOUTPUT, 1*COUNT)
    # weight: (COUNT*1, LOUTPUT), bias zeroed per __init__
    W = jax.random.normal(k3, (COUNT * 1, LOUTPUT), dtype=jnp.float32) * 0.05
    b = jnp.zeros((COUNT * 1,), dtype=jnp.float32)
    return {"x": x, "ply": ply, "W": W, "b": b}


def reference(x, ply, W, b):
    # LayerStacks.forward: bucket index per sample
    ls_indices = ply.reshape(-1) // BUCKET_SIZE  # (B,), values in [0, COUNT)
    # StackedLinear: compute all stacked outputs densely, then gather the
    # per-sample bucket's output column (out_features=1 per bucket)
    out_full = x @ W.T + b  # (B, COUNT*1)
    out = jnp.take_along_axis(out_full, ls_indices[:, None], axis=1)  # (B, 1)
    return out

if __name__ == "__main__":
    import jax
    _d = setup_inputs()
    print(jax.jit(kernel)(*tuple(_d.values())))

</pallas_src>

<mosaic_0001>
#map = affine_map<(d0, d1) -> (0)>
module attributes {stable_mosaic.version = 14 : i64} {
  func.func @_sc_kernel(%arg0: i32, %arg1: i32, %arg2: memref<2097152xf32, #tpu.memory_space<hbm>>, %arg3: memref<16384xi32, #tpu.memory_space<hbm>>, %arg4: memref<1280xf32, #tpu.memory_space<hbm>>, %arg5: memref<10xf32, #tpu.memory_space<hbm>>, %arg6: memref<16384xf32, #tpu.memory_space<hbm>>, %arg7: memref<65536xf32, #tpu.memory_space<vmem>>, %arg8: memref<1280xf32, #tpu.memory_space<vmem>>, %arg9: memref<10xf32, #tpu.memory_space<vmem>>, %arg10: memref<512xi32, #tpu.memory_space<vmem>>, %arg11: memref<512xf32, #tpu.memory_space<vmem>>) attributes {dimension_semantics = [#tpu.dimension_semantics<core_parallel>, #tpu.dimension_semantics<subcore_parallel>], iteration_bounds = array<i64: 2, 16>, scalar_prefetch = 0 : i64, scratch_operands = 5 : i64, tpu.core_type = #tpu.core_type<sc_vector_subcore>, window_params = [{transform_indices = #map}, {transform_indices = #map}, {transform_indices = #map}, {transform_indices = #map}, {transform_indices = #map}]} {
    %mul3A = arith.constant 2 : i32
    %mul3A_0 = arith.muli %arg1, %mul3A : i32
    %add3A = arith.addi %mul3A_0, %arg0 : i32
    %mul3A_1 = arith.constant 512 : i32
    %mul3A_2 = arith.muli %add3A, %mul3A_1 : i32
    %mul3A_3 = arith.constant 128 : i32
    %mul3A_4 = arith.muli %mul3A_2, %mul3A_3 : i32
    "tpu.region"() ({
      %run_scoped3A = tpu.sem_alloc : memref<!tpu.dma_semaphore, #tpu.memory_space<semaphore_mem>>
      %dma_start3A = tpu.memref_slice %arg2[%mul3A_4] : memref<2097152xf32, #tpu.memory_space<hbm>> -> memref<65536xf32, #tpu.memory_space<hbm>>
      %dma_start3A_14 = tpu.memref_slice %arg2[%mul3A_4] : memref<2097152xf32, #tpu.memory_space<hbm>> -> memref<65536xf32, #tpu.memory_space<hbm>>
      tpu.enqueue_dma source(%dma_start3A_14 : memref<65536xf32, #tpu.memory_space<hbm>>) target(%arg7 : memref<65536xf32, #tpu.memory_space<vmem>>) target_semaphore(%run_scoped3A : memref<!tpu.dma_semaphore, #tpu.memory_space<semaphore_mem>>)
      %dma_wait3A = tpu.memref_slice %arg2[%mul3A_4] : memref<2097152xf32, #tpu.memory_space<hbm>> -> memref<65536xf32, #tpu.memory_space<hbm>>
      %dma_wait3A_15 = tpu.memref_slice %arg2[%mul3A_4] : memref<2097152xf32, #tpu.memory_space<hbm>> -> memref<65536xf32, #tpu.memory_space<hbm>>
      tpu.wait_dma2 semaphore(%run_scoped3A : memref<!tpu.dma_semaphore, #tpu.memory_space<semaphore_mem>>) src(%dma_wait3A_15 : memref<65536xf32, #tpu.memory_space<hbm>>) dst(%arg7 : memref<65536xf32, #tpu.memory_space<vmem>>)
      tpu.yield
    }) : () -> ()
    "tpu.region"() ({
      %run_scoped3A = tpu.sem_alloc : memref<!tpu.dma_semaphore, #tpu.memory_space<semaphore_mem>>
      tpu.enqueue_dma source(%arg4 : memref<1280xf32, #tpu.memory_space<hbm>>) target(%arg8 : memref<1280xf32, #tpu.memory_space<vmem>>) target_semaphore(%run_scoped3A : memref<!tpu.dma_semaphore, #tpu.memory_space<semaphore_mem>>)
      tpu.wait_dma2 semaphore(%run_scoped3A : memref<!tpu.dma_semaphore, #tpu.memory_space<semaphore_mem>>) src(%arg4 : memref<1280xf32, #tpu.memory_space<hbm>>) dst(%arg8 : memref<1280xf32, #tpu.memory_space<vmem>>)
      tpu.yield
    }) : () -> ()
    "tpu.region"() ({
      %run_scoped3A = tpu.sem_alloc : memref<!tpu.dma_semaphore, #tpu.memory_space<semaphore_mem>>
      tpu.enqueue_dma source(%arg5 : memref<10xf32, #tpu.memory_space<hbm>>) target(%arg9 : memref<10xf32, #tpu.memory_space<vmem>>) target_semaphore(%run_scoped3A : memref<!tpu.dma_semaphore, #tpu.memory_space<semaphore_mem>>)
      tpu.wait_dma2 semaphore(%run_scoped3A : memref<!tpu.dma_semaphore, #tpu.memory_space<semaphore_mem>>) src(%arg5 : memref<10xf32, #tpu.memory_space<hbm>>) dst(%arg9 : memref<10xf32, #tpu.memory_space<vmem>>)
      tpu.yield
    }) : () -> ()
    "tpu.region"() ({
      %run_scoped3A = tpu.sem_alloc : memref<!tpu.dma_semaphore, #tpu.memory_space<semaphore_mem>>
      %dma_start3A = tpu.memref_slice %arg3[%mul3A_2] : memref<16384xi32, #tpu.memory_space<hbm>> -> memref<512xi32, #tpu.memory_space<hbm>>
      %dma_start3A_14 = tpu.memref_slice %arg3[%mul3A_2] : memref<16384xi32, #tpu.memory_space<hbm>> -> memref<512xi32, #tpu.memory_space<hbm>>
      tpu.enqueue_dma source(%dma_start3A_14 : memref<512xi32, #tpu.memory_space<hbm>>) target(%arg10 : memref<512xi32, #tpu.memory_space<vmem>>) target_semaphore(%run_scoped3A : memref<!tpu.dma_semaphore, #tpu.memory_space<semaphore_mem>>)
      %dma_wait3A = tpu.memref_slice %arg3[%mul3A_2] : memref<16384xi32, #tpu.memory_space<hbm>> -> memref<512xi32, #tpu.memory_space<hbm>>
      %dma_wait3A_15 = tpu.memref_slice %arg3[%mul3A_2] : memref<16384xi32, #tpu.memory_space<hbm>> -> memref<512xi32, #tpu.memory_space<hbm>>
      tpu.wait_dma2 semaphore(%run_scoped3A : memref<!tpu.dma_semaphore, #tpu.memory_space<semaphore_mem>>) src(%dma_wait3A_15 : memref<512xi32, #tpu.memory_space<hbm>>) dst(%arg10 : memref<512xi32, #tpu.memory_space<vmem>>)
      tpu.yield
    }) : () -> ()
    %iota3A = tpu.iota {dimensions = array<i32: 0>} : vector<16xi32>
    %broadcast_in_dim3A = arith.constant 3 : i32
    %broadcast_in_dim3A_5 = vector.broadcast %broadcast_in_dim3A : i32 to vector<16xi32>
    %broadcast_in_dim3A_6 = arith.constant 128 : i32
    %broadcast_in_dim3A_7 = vector.broadcast %broadcast_in_dim3A_6 : i32 to vector<16xi32>
    %mul3A_8 = arith.muli %iota3A, %broadcast_in_dim3A_7 : vector<16xi32>
    %scan3A = arith.constant 0 : i32
    %scan3A_9 = arith.constant 0 : i32
    %scan3A_10 = arith.constant 32 : i32
    %scan3A_11 = arith.addi %scan3A_9, %scan3A_10 : i32
    %scan3A_12 = arith.constant 1 : i32
    scf.for %scan3A_14 = %scan3A_9 to %scan3A_11 step %scan3A_12  : i32 {
      %mul3A_15 = arith.constant 16 : i32
      %mul3A_16 = arith.muli %scan3A_14, %mul3A_15 : i32
      %get3A = arith.index_cast %mul3A_16 : i32 to index
      %get3A_17 = tpu.vector_load %arg10[%get3A] {strides = array<i32>} : memref<512xi32, #tpu.memory_space<vmem>>, vector<16xi32>,
      %div3A = arith.divsi %get3A_17, %broadcast_in_dim3A_5 : vector<16xi32>
      %mul3A_18 = arith.muli %div3A, %broadcast_in_dim3A_7 : vector<16xi32>
      %mul3A_19 = arith.constant 2048 : i32
      %mul3A_20 = arith.muli %scan3A_14, %mul3A_19 : i32
      %broadcast_in_dim3A_21 = vector.broadcast %mul3A_20 : i32 to vector<16xi32>
      %add3A_22 = arith.addi %mul3A_8, %broadcast_in_dim3A_21 : vector<16xi32>
      %broadcast_in_dim3A_23 = arith.constant 0.000000e+00 : f32
      %broadcast_in_dim3A_24 = vector.broadcast %broadcast_in_dim3A_23 : f32 to vector<16xf32>
      %broadcast_in_dim3A_25 = arith.constant 0 : i32
      %broadcast_in_dim3A_26 = vector.broadcast %broadcast_in_dim3A_25 : i32 to vector<16xi32>
      %add3A_27 = arith.addi %add3A_22, %broadcast_in_dim3A_26 : vector<16xi32>
      %gather3A = tpu.vector_load_idx %arg7[%add3A_27] : memref<65536xf32, #tpu.memory_space<vmem>>[vector<16xi32>], vector<16xf32>,
      %add3A_28 = arith.addi %mul3A_18, %broadcast_in_dim3A_26 : vector<16xi32>
      %gather3A_29 = tpu.vector_load_idx %arg8[%add3A_28] : memref<1280xf32, #tpu.memory_space<vmem>>[vector<16xi32>], vector<16xf32>,
      %mul3A_30 = arith.mulf %gather3A, %gather3A_29 : vector<16xf32>
      %add3A_31 = arith.addf %broadcast_in_dim3A_24, %mul3A_30 : vector<16xf32>
      %broadcast_in_dim3A_32 = arith.constant 1 : i32
      %broadcast_in_dim3A_33 = vector.broadcast %broadcast_in_dim3A_32 : i32 to vector<16xi32>
      %add3A_34 = arith.addi %add3A_22, %broadcast_in_dim3A_33 : vector<16xi32>
      %gather3A_35 = tpu.vector_load_idx %arg7[%add3A_34] : memref<65536xf32, #tpu.memory_space<vmem>>[vector<16xi32>], vector<16xf32>,
      %add3A_36 = arith.addi %mul3A_18, %broadcast_in_dim3A_33 : vector<16xi32>
      %gather3A_37 = tpu.vector_load_idx %arg8[%add3A_36] : memref<1280xf32, #tpu.memory_space<vmem>>[vector<16xi32>], vector<16xf32>,
      %mul3A_38 = arith.mulf %gather3A_35, %gather3A_37 : vector<16xf32>
      %add3A_39 = arith.addf %add3A_31, %mul3A_38 : vector<16xf32>
      %broadcast_in_dim3A_40 = arith.constant 2 : i32
      %broadcast_in_dim3A_41 = vector.broadcast %broadcast_in_dim3A_40 : i32 to vector<16xi32>
      %add3A_42 = arith.addi %add3A_22, %broadcast_in_dim3A_41 : vector<16xi32>
      %gather3A_43 = tpu.vector_load_idx %arg7[%add3A_42] : memref<65536xf32, #tpu.memory_space<vmem>>[vector<16xi32>], vector<16xf32>,
      %add3A_44 = arith.addi %mul3A_18, %broadcast_in_dim3A_41 : vector<16xi32>
      %gather3A_45 = tpu.vector_load_idx %arg8[%add3A_44] : memref<1280xf32, #tpu.memory_space<vmem>>[vector<16xi32>], vector<16xf32>,
      %mul3A_46 = arith.mulf %gather3A_43, %gather3A_45 : vector<16xf32>
      %add3A_47 = arith.addf %add3A_39, %mul3A_46 : vector<16xf32>
      %broadcast_in_dim3A_48 = arith.constant 3 : i32
      %broadcast_in_dim3A_49 = vector.broadcast %broadcast_in_dim3A_48 : i32 to vector<16xi32>
      %add3A_50 = arith.addi %add3A_22, %broadcast_in_dim3A_49 : vector<16xi32>
      %gather3A_51 = tpu.vector_load_idx %arg7[%add3A_50] : memref<65536xf32, #tpu.memory_space<vmem>>[vector<16xi32>], vector<16xf32>,
      %add3A_52 = arith.addi %mul3A_18, %broadcast_in_dim3A_49 : vector<16xi32>
      %gather3A_53 = tpu.vector_load_idx %arg8[%add3A_52] : memref<1280xf32, #tpu.memory_space<vmem>>[vector<16xi32>], vector<16xf32>,
      %mul3A_54 = arith.mulf %gather3A_51, %gather3A_53 : vector<16xf32>
      %add3A_55 = arith.addf %add3A_47, %mul3A_54 : vector<16xf32>
      %broadcast_in_dim3A_56 = arith.constant 4 : i32
      %broadcast_in_dim3A_57 = vector.broadcast %broadcast_in_dim3A_56 : i32 to vector<16xi32>
      %add3A_58 = arith.addi %add3A_22, %broadcast_in_dim3A_57 : vector<16xi32>
      %gather3A_59 = tpu.vector_load_idx %arg7[%add3A_58] : memref<65536xf32, #tpu.memory_space<vmem>>[vector<16xi32>], vector<16xf32>,
      %add3A_60 = arith.addi %mul3A_18, %broadcast_in_dim3A_57 : vector<16xi32>
      %gather3A_61 = tpu.vector_load_idx %arg8[%add3A_60] : memref<1280xf32, #tpu.memory_space<vmem>>[vector<16xi32>], vector<16xf32>,
      %mul3A_62 = arith.mulf %gather3A_59, %gather3A_61 : vector<16xf32>
      %add3A_63 = arith.addf %add3A_55, %mul3A_62 : vector<16xf32>
      %broadcast_in_dim3A_64 = arith.constant 5 : i32
      %broadcast_in_dim3A_65 = vector.broadcast %broadcast_in_dim3A_64 : i32 to vector<16xi32>
      %add3A_66 = arith.addi %add3A_22, %broadcast_in_dim3A_65 : vector<16xi32>
      %gather3A_67 = tpu.vector_load_idx %arg7[%add3A_66] : memref<65536xf32, #tpu.memory_space<vmem>>[vector<16xi32>], vector<16xf32>,
      %add3A_68 = arith.addi %mul3A_18, %broadcast_in_dim3A_65 : vector<16xi32>
      %gather3A_69 = tpu.vector_load_idx %arg8[%add3A_68] : memref<1280xf32, #tpu.memory_space<vmem>>[vector<16xi32>], vector<16xf32>,
      %mul3A_70 = arith.mulf %gather3A_67, %gather3A_69 : vector<16xf32>
      %add3A_71 = arith.addf %add3A_63, %mul3A_70 : vector<16xf32>
      %broadcast_in_dim3A_72 = arith.constant 6 : i32
      %broadcast_in_dim3A_73 = vector.broadcast %broadcast_in_dim3A_72 : i32 to vector<16xi32>
      %add3A_74 = arith.addi %add3A_22, %broadcast_in_dim3A_73 : vector<16xi32>
      %gather3A_75 = tpu.vector_load_idx %arg7[%add3A_74] : memref<65536xf32, #tpu.memory_space<vmem>>[vector<16xi32>], vector<16xf32>,
      %add3A_76 = arith.addi %mul3A_18, %broadcast_in_dim3A_73 : vector<16xi32>
      %gather3A_77 = tpu.vector_load_idx %arg8[%add3A_76] : memref<1280xf32, #tpu.memory_space<vmem>>[vector<16xi32>], vector<16xf32>,
      %mul3A_78 = arith.mulf %gather3A_75, %gather3A_77 : vector<16xf32>
      %add3A_79 = arith.addf %add3A_71, %mul3A_78 : vector<16xf32>
      %broadcast_in_dim3A_80 = arith.constant 7 : i32
      %broadcast_in_dim3A_81 = vector.broadcast %broadcast_in_dim3A_80 : i32 to vector<16xi32>
      %add3A_82 = arith.addi %add3A_22, %broadcast_in_dim3A_81 : vector<16xi32>
      %gather3A_83 = tpu.vector_load_idx %arg7[%add3A_82] : memref<65536xf32, #tpu.memory_space<vmem>>[vector<16xi32>], vector<16xf32>,
      %add3A_84 = arith.addi %mul3A_18, %broadcast_in_dim3A_81 : vector<16xi32>
      %gather3A_85 = tpu.vector_load_idx %arg8[%add3A_84] : memref<1280xf32, #tpu.memory_space<vmem>>[vector<16xi32>], vector<16xf32>,
      %mul3A_86 = arith.mulf %gather3A_83, %gather3A_85 : vector<16xf32>
      %add3A_87 = arith.addf %add3A_79, %mul3A_86 : vector<16xf32>
      %broadcast_in_dim3A_88 = arith.constant 8 : i32
      %broadcast_in_dim3A_89 = vector.broadcast %broadcast_in_dim3A_88 : i32 to vector<16xi32>
      %add3A_90 = arith.addi %add3A_22, %broadcast_in_dim3A_89 : vector<16xi32>
      %gather3A_91 = tpu.vector_load_idx %arg7[%add3A_90] : memref<65536xf32, #tpu.memory_space<vmem>>[vector<16xi32>], vector<16xf32>,
      %add3A_92 = arith.addi %mul3A_18, %broadcast_in_dim3A_89 : vector<16xi32>
      %gather3A_93 = tpu.vector_load_idx %arg8[%add3A_92] : memref<1280xf32, #tpu.memory_space<vmem>>[vector<16xi32>], vector<16xf32>,
      %mul3A_94 = arith.mulf %gather3A_91, %gather3A_93 : vector<16xf32>
      %add3A_95 = arith.addf %add3A_87, %mul3A_94 : vector<16xf32>
      %broadcast_in_dim3A_96 = arith.constant 9 : i32
      %broadcast_in_dim3A_97 = vector.broadcast %broadcast_in_dim3A_96 : i32 to vector<16xi32>
      %add3A_98 = arith.addi %add3A_22, %broadcast_in_dim3A_97 : vector<16xi32>
      %gather3A_99 = tpu.vector_load_idx %arg7[%add3A_98] : memref<65536xf32, #tpu.memory_space<vmem>>[vector<16xi32>], vector<16xf32>,
      %add3A_100 = arith.addi %mul3A_18, %broadcast_in_dim3A_97 : vector<16xi32>
      %gather3A_101 = tpu.vector_load_idx %arg8[%add3A_100] : memref<1280xf32, #tpu.memory_space<vmem>>[vector<16xi32>], vector<16xf32>,
      %mul3A_102 = arith.mulf %gather3A_99, %gather3A_101 : vector<16xf32>
      %add3A_103 = arith.addf %add3A_95, %mul3A_102 : vector<16xf32>
      %broadcast_in_dim3A_104 = arith.constant 10 : i32
      %broadcast_in_dim3A_105 = vector.broadcast %broadcast_in_dim3A_104 : i32 to vector<16xi32>
      %add3A_106 = arith.addi %add3A_22, %broadcast_in_dim3A_105 : vector<16xi32>
      %gather3A_107 = tpu.vector_load_idx %arg7[%add3A_106] : memref<65536xf32, #tpu.memory_space<vmem>>[vector<16xi32>], vector<16xf32>,
      %add3A_108 = arith.addi %mul3A_18, %broadcast_in_dim3A_105 : vector<16xi32>
      %gather3A_109 = tpu.vector_load_idx %arg8[%add3A_108] : memref<1280xf32, #tpu.memory_space<vmem>>[vector<16xi32>], vector<16xf32>,
      %mul3A_110 = arith.mulf %gather3A_107, %gather3A_109 : vector<16xf32>
      %add3A_111 = arith.addf %add3A_103, %mul3A_110 : vector<16xf32>
      %broadcast_in_dim3A_112 = arith.constant 11 : i32
      %broadcast_in_dim3A_113 = vector.broadcast %broadcast_in_dim3A_112 : i32 to vector<16xi32>
      %add3A_114 = arith.addi %add3A_22, %broadcast_in_dim3A_113 : vector<16xi32>
      %gather3A_115 = tpu.vector_load_idx %arg7[%add3A_114] : memref<65536xf32, #tpu.memory_space<vmem>>[vector<16xi32>], vector<16xf32>,
      %add3A_116 = arith.addi %mul3A_18, %broadcast_in_dim3A_113 : vector<16xi32>
      %gather3A_117 = tpu.vector_load_idx %arg8[%add3A_116] : memref<1280xf32, #tpu.memory_space<vmem>>[vector<16xi32>], vector<16xf32>,
      %mul3A_118 = arith.mulf %gather3A_115, %gather3A_117 : vector<16xf32>
      %add3A_119 = arith.addf %add3A_111, %mul3A_118 : vector<16xf32>
      %broadcast_in_dim3A_120 = arith.constant 12 : i32
      %broadcast_in_dim3A_121 = vector.broadcast %broadcast_in_dim3A_120 : i32 to vector<16xi32>
      %add3A_122 = arith.addi %add3A_22, %broadcast_in_dim3A_121 : vector<16xi32>
      %gather3A_123 = tpu.vector_load_idx %arg7[%add3A_122] : memref<65536xf32, #tpu.memory_space<vmem>>[vector<16xi32>], vector<16xf32>,
      %add3A_124 = arith.addi %mul3A_18, %broadcast_in_dim3A_121 : vector<16xi32>
      %gather3A_125 = tpu.vector_load_idx %arg8[%add3A_124] : memref<1280xf32, #tpu.memory_space<vmem>>[vector<16xi32>], vector<16xf32>,
      %mul3A_126 = arith.mulf %gather3A_123, %gather3A_125 : vector<16xf32>
      %add3A_127 = arith.addf %add3A_119, %mul3A_126 : vector<16xf32>
      %broadcast_in_dim3A_128 = arith.constant 13 : i32
      %broadcast_in_dim3A_129 = vector.broadcast %broadcast_in_dim3A_128 : i32 to vector<16xi32>
      %add3A_130 = arith.addi %add3A_22, %broadcast_in_dim3A_129 : vector<16xi32>
      %gather3A_131 = tpu.vector_load_idx %arg7[%add3A_130] : memref<65536xf32, #tpu.memory_space<vmem>>[vector<16xi32>], vector<16xf32>,
      %add3A_132 = arith.addi %mul3A_18, %broadcast_in_dim3A_129 : vector<16xi32>
      %gather3A_133 = tpu.vector_load_idx %arg8[%add3A_132] : memref<1280xf32, #tpu.memory_space<vmem>>[vector<16xi32>], vector<16xf32>,
      %mul3A_134 = arith.mulf %gather3A_131, %gather3A_133 : vector<16xf32>
      %add3A_135 = arith.addf %add3A_127, %mul3A_134 : vector<16xf32>
      %broadcast_in_dim3A_136 = arith.constant 14 : i32
      %broadcast_in_dim3A_137 = vector.broadcast %broadcast_in_dim3A_136 : i32 to vector<16xi32>
      %add3A_138 = arith.addi %add3A_22, %broadcast_in_dim3A_137 : vector<16xi32>
      %gather3A_139 = tpu.vector_load_idx %arg7[%add3A_138] : memref<65536xf32, #tpu.memory_space<vmem>>[vector<16xi32>], vector<16xf32>,
      %add3A_140 = arith.addi %mul3A_18, %broadcast_in_dim3A_137 : vector<16xi32>
      %gather3A_141 = tpu.vector_load_idx %arg8[%add3A_140] : memref<1280xf32, #tpu.memory_space<vmem>>[vector<16xi32>], vector<16xf32>,
      %mul3A_142 = arith.mulf %gather3A_139, %gather3A_141 : vector<16xf32>
      %add3A_143 = arith.addf %add3A_135, %mul3A_142 : vector<16xf32>
      %broadcast_in_dim3A_144 = arith.constant 15 : i32
      %broadcast_in_dim3A_145 = vector.broadcast %broadcast_in_dim3A_144 : i32 to vector<16xi32>
      %add3A_146 = arith.addi %add3A_22, %broadcast_in_dim3A_145 : vector<16xi32>
      %gather3A_147 = tpu.vector_load_idx %arg7[%add3A_146] : memref<65536xf32, #tpu.memory_space<vmem>>[vector<16xi32>], vector<16xf32>,
      %add3A_148 = arith.addi %mul3A_18, %broadcast_in_dim3A_145 : vector<16xi32>
      %gather3A_149 = tpu.vector_load_idx %arg8[%add3A_148] : memref<1280xf32, #tpu.memory_space<vmem>>[vector<16xi32>], vector<16xf32>,
      %mul3A_150 = arith.mulf %gather3A_147, %gather3A_149 : vector<16xf32>
      %add3A_151 = arith.addf %add3A_143, %mul3A_150 : vector<16xf32>
      %broadcast_in_dim3A_152 = arith.constant 16 : i32
      %broadcast_in_dim3A_153 = vector.broadcast %broadcast_in_dim3A_152 : i32 to vector<16xi32>
      %add3A_154 = arith.addi %add3A_22, %broadcast_in_dim3A_153 : vector<16xi32>
      %gather3A_155 = tpu.vector_load_idx %arg7[%add3A_154] : memref<65536xf32, #tpu.memory_space<vmem>>[vector<16xi32>], vector<16xf32>,
      %add3A_156 = arith.addi %mul3A_18, %broadcast_in_dim3A_153 : vector<16xi32>
      %gather3A_157 = tpu.vector_load_idx %arg8[%add3A_156] : memref<1280xf32, #tpu.memory_space<vmem>>[vector<16xi32>], vector<16xf32>,
      %mul3A_158 = arith.mulf %gather3A_155, %gather3A_157 : vector<16xf32>
      %add3A_159 = arith.addf %add3A_151, %mul3A_158 : vector<16xf32>
      %broadcast_in_dim3A_160 = arith.constant 17 : i32
      %broadcast_in_dim3A_161 = vector.broadcast %broadcast_in_dim3A_160 : i32 to vector<16xi32>
      %add3A_162 = arith.addi %add3A_22, %broadcast_in_dim3A_161 : vector<16xi32>
      %gather3A_163 = tpu.vector_load_idx %arg7[%add3A_162] : memref<65536xf32, #tpu.memory_space<vmem>>[vector<16xi32>], vector<16xf32>,
      %add3A_164 = arith.addi %mul3A_18, %broadcast_in_dim3A_161 : vector<16xi32>
      %gather3A_165 = tpu.vector_load_idx %arg8[%add3A_164] : memref<1280xf32, #tpu.memory_space<vmem>>[vector<16xi32>], vector<16xf32>,
      %mul3A_166 = arith.mulf %gather3A_163, %gather3A_165 : vector<16xf32>
      %add3A_167 = arith.addf %add3A_159, %mul3A_166 : vector<16xf32>
      %broadcast_in_dim3A_168 = arith.constant 18 : i32
      %broadcast_in_dim3A_169 = vector.broadcast %broadcast_in_dim3A_168 : i32 to vector<16xi32>
      %add3A_170 = arith.addi %add3A_22, %broadcast_in_dim3A_169 : vector<16xi32>
      %gather3A_171 = tpu.vector_load_idx %arg7[%add3A_170] : memref<65536xf32, #tpu.memory_space<vmem>>[vector<16xi32>], vector<16xf32>,
      %add3A_172 = arith.addi %mul3A_18, %broadcast_in_dim3A_169 : vector<16xi32>
      %gather3A_173 = tpu.vector_load_idx %arg8[%add3A_172] : memref<1280xf32, #tpu.memory_space<vmem>>[vector<16xi32>], vector<16xf32>,
      %mul3A_174 = arith.mulf %gather3A_171, %gather3A_173 : vector<16xf32>
      %add3A_175 = arith.addf %add3A_167, %mul3A_174 : vector<16xf32>
      %broadcast_in_dim3A_176 = arith.constant 19 : i32
      %broadcast_in_dim3A_177 = vector.broadcast %broadcast_in_dim3A_176 : i32 to vector<16xi32>
      %add3A_178 = arith.addi %add3A_22, %broadcast_in_dim3A_177 : vector<16xi32>
      %gather3A_179 = tpu.vector_load_idx %arg7[%add3A_178] : memref<65536xf32, #tpu.memory_space<vmem>>[vector<16xi32>], vector<16xf32>,
      %add3A_180 = arith.addi %mul3A_18, %broadcast_in_dim3A_177 : vector<16xi32>
      %gather3A_181 = tpu.vector_load_idx %arg8[%add3A_180] : memref<1280xf32, #tpu.memory_space<vmem>>[vector<16xi32>], vector<16xf32>,
      %mul3A_182 = arith.mulf %gather3A_179, %gather3A_181 : vector<16xf32>
      %add3A_183 = arith.addf %add3A_175, %mul3A_182 : vector<16xf32>
      %broadcast_in_dim3A_184 = arith.constant 20 : i32
      %broadcast_in_dim3A_185 = vector.broadcast %broadcast_in_dim3A_184 : i32 to vector<16xi32>
      %add3A_186 = arith.addi %add3A_22, %broadcast_in_dim3A_185 : vector<16xi32>
      %gather3A_187 = tpu.vector_load_idx %arg7[%add3A_186] : memref<65536xf32, #tpu.memory_space<vmem>>[vector<16xi32>], vector<16xf32>,
      %add3A_188 = arith.addi %mul3A_18, %broadcast_in_dim3A_185 : vector<16xi32>
      %gather3A_189 = tpu.vector_load_idx %arg8[%add3A_188] : memref<1280xf32, #tpu.memory_space<vmem>>[vector<16xi32>], vector<16xf32>,
      %mul3A_190 = arith.mulf %gather3A_187, %gather3A_189 : vector<16xf32>
      %add3A_191 = arith.addf %add3A_183, %mul3A_190 : vector<16xf32>
      %broadcast_in_dim3A_192 = arith.constant 21 : i32
      %broadcast_in_dim3A_193 = vector.broadcast %broadcast_in_dim3A_192 : i32 to vector<16xi32>
      %add3A_194 = arith.addi %add3A_22, %broadcast_in_dim3A_193 : vector<16xi32>
      %gather3A_195 = tpu.vector_load_idx %arg7[%add3A_194] : memref<65536xf32, #tpu.memory_space<vmem>>[vector<16xi32>], vector<16xf32>,
      %add3A_196 = arith.addi %mul3A_18, %broadcast_in_dim3A_193 : vector<16xi32>
      %gather3A_197 = tpu.vector_load_idx %arg8[%add3A_196] : memref<1280xf32, #tpu.memory_space<vmem>>[vector<16xi32>], vector<16xf32>,
      %mul3A_198 = arith.mulf %gather3A_195, %gather3A_197 : vector<16xf32>
      %add3A_199 = arith.addf %add3A_191, %mul3A_198 : vector<16xf32>
      %broadcast_in_dim3A_200 = arith.constant 22 : i32
      %broadcast_in_dim3A_201 = vector.broadcast %broadcast_in_dim3A_200 : i32 to vector<16xi32>
      %add3A_202 = arith.addi %add3A_22, %broadcast_in_dim3A_201 : vector<16xi32>
      %gather3A_203 = tpu.vector_load_idx %arg7[%add3A_202] : memref<65536xf32, #tpu.memory_space<vmem>>[vector<16xi32>], vector<16xf32>,
      %add3A_204 = arith.addi %mul3A_18, %broadcast_in_dim3A_201 : vector<16xi32>
      %gather3A_205 = tpu.vector_load_idx %arg8[%add3A_204] : memref<1280xf32, #tpu.memory_space<vmem>>[vector<16xi32>], vector<16xf32>,
      %mul3A_206 = arith.mulf %gather3A_203, %gather3A_205 : vector<16xf32>
      %add3A_207 = arith.addf %add3A_199, %mul3A_206 : vector<16xf32>
      %broadcast_in_dim3A_208 = arith.constant 23 : i32
      %broadcast_in_dim3A_209 = vector.broadcast %broadcast_in_dim3A_208 : i32 to vector<16xi32>
      %add3A_210 = arith.addi %add3A_22, %broadcast_in_dim3A_209 : vector<16xi32>
      %gather3A_211 = tpu.vector_load_idx %arg7[%add3A_210] : memref<65536xf32, #tpu.memory_space<vmem>>[vector<16xi32>], vector<16xf32>,
      %add3A_212 = arith.addi %mul3A_18, %broadcast_in_dim3A_209 : vector<16xi32>
      %gather3A_213 = tpu.vector_load_idx %arg8[%add3A_212] : memref<1280xf32, #tpu.memory_space<vmem>>[vector<16xi32>], vector<16xf32>,
      %mul3A_214 = arith.mulf %gather3A_211, %gather3A_213 : vector<16xf32>
      %add3A_215 = arith.addf %add3A_207, %mul3A_214 : vector<16xf32>
      %broadcast_in_dim3A_216 = arith.constant 24 : i32
      %broadcast_in_dim3A_217 = vector.broadcast %broadcast_in_dim3A_216 : i32 to vector<16xi32>
      %add3A_218 = arith.addi %add3A_22, %broadcast_in_dim3A_217 : vector<16xi32>
      %gather3A_219 = tpu.vector_load_idx %arg7[%add3A_218] : memref<65536xf32, #tpu.memory_space<vmem>>[vector<16xi32>], vector<16xf32>,
      %add3A_220 = arith.addi %mul3A_18, %broadcast_in_dim3A_217 : vector<16xi32>
      %gather3A_221 = tpu.vector_load_idx %arg8[%add3A_220] : memref<1280xf32, #tpu.memory_space<vmem>>[vector<16xi32>], vector<16xf32>,
      %mul3A_222 = arith.mulf %gather3A_219, %gather3A_221 : vector<16xf32>
      %add3A_223 = arith.addf %add3A_215, %mul3A_222 : vector<16xf32>
      %broadcast_in_dim3A_224 = arith.constant 25 : i32
      %broadcast_in_dim3A_225 = vector.broadcast %broadcast_in_dim3A_224 : i32 to vector<16xi32>
      %add3A_226 = arith.addi %add3A_22, %broadcast_in_dim3A_225 : vector<16xi32>
      %gather3A_227 = tpu.vector_load_idx %arg7[%add3A_226] : memref<65536xf32, #tpu.memory_space<vmem>>[vector<16xi32>], vector<16xf32>,
      %add3A_228 = arith.addi %mul3A_18, %broadcast_in_dim3A_225 : vector<16xi32>
      %gather3A_229 = tpu.vector_load_idx %arg8[%add3A_228] : memref<1280xf32, #tpu.memory_space<vmem>>[vector<16xi32>], vector<16xf32>,
      %mul3A_230 = arith.mulf %gather3A_227, %gather3A_229 : vector<16xf32>
      %add3A_231 = arith.addf %add3A_223, %mul3A_230 : vector<16xf32>
      %broadcast_in_dim3A_232 = arith.constant 26 : i32
      %broadcast_in_dim3A_233 = vector.broadcast %broadcast_in_dim3A_232 : i32 to vector<16xi32>
      %add3A_234 = arith.addi %add3A_22, %broadcast_in_dim3A_233 : vector<16xi32>
      %gather3A_235 = tpu.vector_load_idx %arg7[%add3A_234] : memref<65536xf32, #tpu.memory_space<vmem>>[vector<16xi32>], vector<16xf32>,
      %add3A_236 = arith.addi %mul3A_18, %broadcast_in_dim3A_233 : vector<16xi32>
      %gather3A_237 = tpu.vector_load_idx %arg8[%add3A_236] : memref<1280xf32, #tpu.memory_space<vmem>>[vector<16xi32>], vector<16xf32>,
      %mul3A_238 = arith.mulf %gather3A_235, %gather3A_237 : vector<16xf32>
      %add3A_239 = arith.addf %add3A_231, %mul3A_238 : vector<16xf32>
      %broadcast_in_dim3A_240 = arith.constant 27 : i32
      %broadcast_in_dim3A_241 = vector.broadcast %broadcast_in_dim3A_240 : i32 to vector<16xi32>
      %add3A_242 = arith.addi %add3A_22, %broadcast_in_dim3A_241 : vector<16xi32>
      %gather3A_243 = tpu.vector_load_idx %arg7[%add3A_242] : memref<65536xf32, #tpu.memory_space<vmem>>[vector<16xi32>], vector<16xf32>,
      %add3A_244 = arith.addi %mul3A_18, %broadcast_in_dim3A_241 : vector<16xi32>
      %gather3A_245 = tpu.vector_load_idx %arg8[%add3A_244] : memref<1280xf32, #tpu.memory_space<vmem>>[vector<16xi32>], vector<16xf32>,
      %mul3A_246 = arith.mulf %gather3A_243, %gather3A_245 : vector<16xf32>
      %add3A_247 = arith.addf %add3A_239, %mul3A_246 : vector<16xf32>
      %broadcast_in_dim3A_248 = arith.constant 28 : i32
      %broadcast_in_dim3A_249 = vector.broadcast %broadcast_in_dim3A_248 : i32 to vector<16xi32>
      %add3A_250 = arith.addi %add3A_22, %broadcast_in_dim3A_249 : vector<16xi32>
      %gather3A_251 = tpu.vector_load_idx %arg7[%add3A_250] : memref<65536xf32, #tpu.memory_space<vmem>>[vector<16xi32>], vector<16xf32>,
      %add3A_252 = arith.addi %mul3A_18, %broadcast_in_dim3A_249 : vector<16xi32>
      %gather3A_253 = tpu.vector_load_idx %arg8[%add3A_252] : memref<1280xf32, #tpu.memory_space<vmem>>[vector<16xi32>], vector<16xf32>,
      %mul3A_254 = arith.mulf %gather3A_251, %gather3A_253 : vector<16xf32>
      %add3A_255 = arith.addf %add3A_247, %mul3A_254 : vector<16xf32>
      %broadcast_in_dim3A_256 = arith.constant 29 : i32
      %broadcast_in_dim3A_257 = vector.broadcast %broadcast_in_dim3A_256 : i32 to vector<16xi32>
      %add3A_258 = arith.addi %add3A_22, %broadcast_in_dim3A_257 : vector<16xi32>
      %gather3A_259 = tpu.vector_load_idx %arg7[%add3A_258] : memref<65536xf32, #tpu.memory_space<vmem>>[vector<16xi32>], vector<16xf32>,
      %add3A_260 = arith.addi %mul3A_18, %broadcast_in_dim3A_257 : vector<16xi32>
      %gather3A_261 = tpu.vector_load_idx %arg8[%add3A_260] : memref<1280xf32, #tpu.memory_space<vmem>>[vector<16xi32>], vector<16xf32>,
      %mul3A_262 = arith.mulf %gather3A_259, %gather3A_261 : vector<16xf32>
      %add3A_263 = arith.addf %add3A_255, %mul3A_262 : vector<16xf32>
      %broadcast_in_dim3A_264 = arith.constant 30 : i32
      %broadcast_in_dim3A_265 = vector.broadcast %broadcast_in_dim3A_264 : i32 to vector<16xi32>
      %add3A_266 = arith.addi %add3A_22, %broadcast_in_dim3A_265 : vector<16xi32>
      %gather3A_267 = tpu.vector_load_idx %arg7[%add3A_266] : memref<65536xf32, #tpu.memory_space<vmem>>[vector<16xi32>], vector<16xf32>,
      %add3A_268 = arith.addi %mul3A_18, %broadcast_in_dim3A_265 : vector<16xi32>
      %gather3A_269 = tpu.vector_load_idx %arg8[%add3A_268] : memref<1280xf32, #tpu.memory_space<vmem>>[vector<16xi32>], vector<16xf32>,
      %mul3A_270 = arith.mulf %gather3A_267, %gather3A_269 : vector<16xf32>
      %add3A_271 = arith.addf %add3A_263, %mul3A_270 : vector<16xf32>
      %broadcast_in_dim3A_272 = arith.constant 31 : i32
      %broadcast_in_dim3A_273 = vector.broadcast %broadcast_in_dim3A_272 : i32 to vector<16xi32>
      %add3A_274 = arith.addi %add3A_22, %broadcast_in_dim3A_273 : vector<16xi32>
      %gather3A_275 = tpu.vector_load_idx %arg7[%add3A_274] : memref<65536xf32, #tpu.memory_space<vmem>>[vector<16xi32>], vector<16xf32>,
      %add3A_276 = arith.addi %mul3A_18, %broadcast_in_dim3A_273 : vector<16xi32>
      %gather3A_277 = tpu.vector_load_idx %arg8[%add3A_276] : memref<1280xf32, #tpu.memory_space<vmem>>[vector<16xi32>], vector<16xf32>,
      %mul3A_278 = arith.mulf %gather3A_275, %gather3A_277 : vector<16xf32>
      %add3A_279 = arith.addf %add3A_271, %mul3A_278 : vector<16xf32>
      %broadcast_in_dim3A_280 = arith.constant 32 : i32
      %broadcast_in_dim3A_281 = vector.broadcast %broadcast_in_dim3A_280 : i32 to vector<16xi32>
      %add3A_282 = arith.addi %add3A_22, %broadcast_in_dim3A_281 : vector<16xi32>
      %gather3A_283 = tpu.vector_load_idx %arg7[%add3A_282] : memref<65536xf32, #tpu.memory_space<vmem>>[vector<16xi32>], vector<16xf32>,
      %add3A_284 = arith.addi %mul3A_18, %broadcast_in_dim3A_281 : vector<16xi32>
      %gather3A_285 = tpu.vector_load_idx %arg8[%add3A_284] : memref<1280xf32, #tpu.memory_space<vmem>>[vector<16xi32>], vector<16xf32>,
      %mul3A_286 = arith.mulf %gather3A_283, %gather3A_285 : vector<16xf32>
      %add3A_287 = arith.addf %add3A_279, %mul3A_286 : vector<16xf32>
      %broadcast_in_dim3A_288 = arith.constant 33 : i32
      %broadcast_in_dim3A_289 = vector.broadcast %broadcast_in_dim3A_288 : i32 to vector<16xi32>
      %add3A_290 = arith.addi %add3A_22, %broadcast_in_dim3A_289 : vector<16xi32>
      %gather3A_291 = tpu.vector_load_idx %arg7[%add3A_290] : memref<65536xf32, #tpu.memory_space<vmem>>[vector<16xi32>], vector<16xf32>,
      %add3A_292 = arith.addi %mul3A_18, %broadcast_in_dim3A_289 : vector<16xi32>
      %gather3A_293 = tpu.vector_load_idx %arg8[%add3A_292] : memref<1280xf32, #tpu.memory_space<vmem>>[vector<16xi32>], vector<16xf32>,
      %mul3A_294 = arith.mulf %gather3A_291, %gather3A_293 : vector<16xf32>
      %add3A_295 = arith.addf %add3A_287, %mul3A_294 : vector<16xf32>
      %broadcast_in_dim3A_296 = arith.constant 34 : i32
      %broadcast_in_dim3A_297 = vector.broadcast %broadcast_in_dim3A_296 : i32 to vector<16xi32>
      %add3A_298 = arith.addi %add3A_22, %broadcast_in_dim3A_297 : vector<16xi32>
      %gather3A_299 = tpu.vector_load_idx %arg7[%add3A_298] : memref<65536xf32, #tpu.memory_space<vmem>>[vector<16xi32>], vector<16xf32>,
      %add3A_300 = arith.addi %mul3A_18, %broadcast_in_dim3A_297 : vector<16xi32>
      %gather3A_301 = tpu.vector_load_idx %arg8[%add3A_300] : memref<1280xf32, #tpu.memory_space<vmem>>[vector<16xi32>], vector<16xf32>,
      %mul3A_302 = arith.mulf %gather3A_299, %gather3A_301 : vector<16xf32>
      %add3A_303 = arith.addf %add3A_295, %mul3A_302 : vector<16xf32>
      %broadcast_in_dim3A_304 = arith.constant 35 : i32
      %broadcast_in_dim3A_305 = vector.broadcast %broadcast_in_dim3A_304 : i32 to vector<16xi32>
      %add3A_306 = arith.addi %add3A_22, %broadcast_in_dim3A_305 : vector<16xi32>
      %gather3A_307 = tpu.vector_load_idx %arg7[%add3A_306] : memref<65536xf32, #tpu.memory_space<vmem>>[vector<16xi32>], vector<16xf32>,
      %add3A_308 = arith.addi %mul3A_18, %broadcast_in_dim3A_305 : vector<16xi32>
      %gather3A_309 = tpu.vector_load_idx %arg8[%add3A_308] : memref<1280xf32, #tpu.memory_space<vmem>>[vector<16xi32>], vector<16xf32>,
      %mul3A_310 = arith.mulf %gather3A_307, %gather3A_309 : vector<16xf32>
      %add3A_311 = arith.addf %add3A_303, %mul3A_310 : vector<16xf32>
      %broadcast_in_dim3A_312 = arith.constant 36 : i32
      %broadcast_in_dim3A_313 = vector.broadcast %broadcast_in_dim3A_312 : i32 to vector<16xi32>
      %add3A_314 = arith.addi %add3A_22, %broadcast_in_dim3A_313 : vector<16xi32>
      %gather3A_315 = tpu.vector_load_idx %arg7[%add3A_314] : memref<65536xf32, #tpu.memory_space<vmem>>[vector<16xi32>], vector<16xf32>,
      %add3A_316 = arith.addi %mul3A_18, %broadcast_in_dim3A_313 : vector<16xi32>
      %gather3A_317 = tpu.vector_load_idx %arg8[%add3A_316] : memref<1280xf32, #tpu.memory_space<vmem>>[vector<16xi32>], vector<16xf32>,
      %mul3A_318 = arith.mulf %gather3A_315, %gather3A_317 : vector<16xf32>
      %add3A_319 = arith.addf %add3A_311, %mul3A_318 : vector<16xf32>
      %broadcast_in_dim3A_320 = arith.constant 37 : i32
      %broadcast_in_dim3A_321 = vector.broadcast %broadcast_in_dim3A_320 : i32 to vector<16xi32>
      %add3A_322 = arith.addi %add3A_22, %broadcast_in_dim3A_321 : vector<16xi32>
      %gather3A_323 = tpu.vector_load_idx %arg7[%add3A_322] : memref<65536xf32, #tpu.memory_space<vmem>>[vector<16xi32>], vector<16xf32>,
      %add3A_324 = arith.addi %mul3A_18, %broadcast_in_dim3A_321 : vector<16xi32>
      %gather3A_325 = tpu.vector_load_idx %arg8[%add3A_324] : memref<1280xf32, #tpu.memory_space<vmem>>[vector<16xi32>], vector<16xf32>,
      %mul3A_326 = arith.mulf %gather3A_323, %gather3A_325 : vector<16xf32>
      %add3A_327 = arith.addf %add3A_319, %mul3A_326 : vector<16xf32>
      %broadcast_in_dim3A_328 = arith.constant 38 : i32
      %broadcast_in_dim3A_329 = vector.broadcast %broadcast_in_dim3A_328 : i32 to vector<16xi32>
      %add3A_330 = arith.addi %add3A_22, %broadcast_in_dim3A_329 : vector<16xi32>
      %gather3A_331 = tpu.vector_load_idx %arg7[%add3A_330] : memref<65536xf32, #tpu.memory_space<vmem>>[vector<16xi32>], vector<16xf32>,
      %add3A_332 = arith.addi %mul3A_18, %broadcast_in_dim3A_329 : vector<16xi32>
      %gather3A_333 = tpu.vector_load_idx %arg8[%add3A_332] : memref<1280xf32, #tpu.memory_space<vmem>>[vector<16xi32>], vector<16xf32>,
      %mul3A_334 = arith.mulf %gather3A_331, %gather3A_333 : vector<16xf32>
      %add3A_335 = arith.addf %add3A_327, %mul3A_334 : vector<16xf32>
      %broadcast_in_dim3A_336 = arith.constant 39 : i32
      %broadcast_in_dim3A_337 = vector.broadcast %broadcast_in_dim3A_336 : i32 to vector<16xi32>
      %add3A_338 = arith.addi %add3A_22, %broadcast_in_dim3A_337 : vector<16xi32>
      %gather3A_339 = tpu.vector_load_idx %arg7[%add3A_338] : memref<65536xf32, #tpu.memory_space<vmem>>[vector<16xi32>], vector<16xf32>,
      %add3A_340 = arith.addi %mul3A_18, %broadcast_in_dim3A_337 : vector<16xi32>
      %gather3A_341 = tpu.vector_load_idx %arg8[%add3A_340] : memref<1280xf32, #tpu.memory_space<vmem>>[vector<16xi32>], vector<16xf32>,
      %mul3A_342 = arith.mulf %gather3A_339, %gather3A_341 : vector<16xf32>
      %add3A_343 = arith.addf %add3A_335, %mul3A_342 : vector<16xf32>
      %broadcast_in_dim3A_344 = arith.constant 40 : i32
      %broadcast_in_dim3A_345 = vector.broadcast %broadcast_in_dim3A_344 : i32 to vector<16xi32>
      %add3A_346 = arith.addi %add3A_22, %broadcast_in_dim3A_345 : vector<16xi32>
      %gather3A_347 = tpu.vector_load_idx %arg7[%add3A_346] : memref<65536xf32, #tpu.memory_space<vmem>>[vector<16xi32>], vector<16xf32>,
      %add3A_348 = arith.addi %mul3A_18, %broadcast_in_dim3A_345 : vector<16xi32>
      %gather3A_349 = tpu.vector_load_idx %arg8[%add3A_348] : memref<1280xf32, #tpu.memory_space<vmem>>[vector<16xi32>], vector<16xf32>,
      %mul3A_350 = arith.mulf %gather3A_347, %gather3A_349 : vector<16xf32>
      %add3A_351 = arith.addf %add3A_343, %mul3A_350 : vector<16xf32>
      %broadcast_in_dim3A_352 = arith.constant 41 : i32
      %broadcast_in_dim3A_353 = vector.broadcast %broadcast_in_dim3A_352 : i32 to vector<16xi32>
      %add3A_354 = arith.addi %add3A_22, %broadcast_in_dim3A_353 : vector<16xi32>
      %gather3A_355 = tpu.vector_load_idx %arg7[%add3A_354] : memref<65536xf32, #tpu.memory_space<vmem>>[vector<16xi32>], vector<16xf32>,
      %add3A_356 = arith.addi %mul3A_18, %broadcast_in_dim3A_353 : vector<16xi32>
      %gather3A_357 = tpu.vector_load_idx %arg8[%add3A_356] : memref<1280xf32, #tpu.memory_space<vmem>>[vector<16xi32>], vector<16xf32>,
      %mul3A_358 = arith.mulf %gather3A_355, %gather3A_357 : vector<16xf32>
      %add3A_359 = arith.addf %add3A_351, %mul3A_358 : vector<16xf32>
      %broadcast_in_dim3A_360 = arith.constant 42 : i32
      %broadcast_in_dim3A_361 = vector.broadcast %broadcast_in_dim3A_360 : i32 to vector<16xi32>
      %add3A_362 = arith.addi %add3A_22, %broadcast_in_dim3A_361 : vector<16xi32>
      %gather3A_363 = tpu.vector_load_idx %arg7[%add3A_362] : memref<65536xf32, #tpu.memory_space<vmem>>[vector<16xi32>], vector<16xf32>,
      %add3A_364 = arith.addi %mul3A_18, %broadcast_in_dim3A_361 : vector<16xi32>
      %gather3A_365 = tpu.vector_load_idx %arg8[%add3A_364] : memref<1280xf32, #tpu.memory_space<vmem>>[vector<16xi32>], vector<16xf32>,
      %mul3A_366 = arith.mulf %gather3A_363, %gather3A_365 : vector<16xf32>
      %add3A_367 = arith.addf %add3A_359, %mul3A_366 : vector<16xf32>
      %broadcast_in_dim3A_368 = arith.constant 43 : i32
      %broadcast_in_dim3A_369 = vector.broadcast %broadcast_in_dim3A_368 : i32 to vector<16xi32>
      %add3A_370 = arith.addi %add3A_22, %broadcast_in_dim3A_369 : vector<16xi32>
      %gather3A_371 = tpu.vector_load_idx %arg7[%add3A_370] : memref<65536xf32, #tpu.memory_space<vmem>>[vector<16xi32>], vector<16xf32>,
      %add3A_372 = arith.addi %mul3A_18, %broadcast_in_dim3A_369 : vector<16xi32>
      %gather3A_373 = tpu.vector_load_idx %arg8[%add3A_372] : memref<1280xf32, #tpu.memory_space<vmem>>[vector<16xi32>], vector<16xf32>,
      %mul3A_374 = arith.mulf %gather3A_371, %gather3A_373 : vector<16xf32>
      %add3A_375 = arith.addf %add3A_367, %mul3A_374 : vector<16xf32>
      %broadcast_in_dim3A_376 = arith.constant 44 : i32
      %broadcast_in_dim3A_377 = vector.broadcast %broadcast_in_dim3A_376 : i32 to vector<16xi32>
      %add3A_378 = arith.addi %add3A_22, %broadcast_in_dim3A_377 : vector<16xi32>
      %gather3A_379 = tpu.vector_load_idx %arg7[%add3A_378] : memref<65536xf32, #tpu.memory_space<vmem>>[vector<16xi32>], vector<16xf32>,
      %add3A_380 = arith.addi %mul3A_18, %broadcast_in_dim3A_377 : vector<16xi32>
      %gather3A_381 = tpu.vector_load_idx %arg8[%add3A_380] : memref<1280xf32, #tpu.memory_space<vmem>>[vector<16xi32>], vector<16xf32>,
      %mul3A_382 = arith.mulf %gather3A_379, %gather3A_381 : vector<16xf32>
      %add3A_383 = arith.addf %add3A_375, %mul3A_382 : vector<16xf32>
      %broadcast_in_dim3A_384 = arith.constant 45 : i32
      %broadcast_in_dim3A_385 = vector.broadcast %broadcast_in_dim3A_384 : i32 to vector<16xi32>
      %add3A_386 = arith.addi %add3A_22, %broadcast_in_dim3A_385 : vector<16xi32>
      %gather3A_387 = tpu.vector_load_idx %arg7[%add3A_386] : memref<65536xf32, #tpu.memory_space<vmem>>[vector<16xi32>], vector<16xf32>,
      %add3A_388 = arith.addi %mul3A_18, %broadcast_in_dim3A_385 : vector<16xi32>
      %gather3A_389 = tpu.vector_load_idx %arg8[%add3A_388] : memref<1280xf32, #tpu.memory_space<vmem>>[vector<16xi32>], vector<16xf32>,
      %mul3A_390 = arith.mulf %gather3A_387, %gather3A_389 : vector<16xf32>
      %add3A_391 = arith.addf %add3A_383, %mul3A_390 : vector<16xf32>
      %broadcast_in_dim3A_392 = arith.constant 46 : i32
      %broadcast_in_dim3A_393 = vector.broadcast %broadcast_in_dim3A_392 : i32 to vector<16xi32>
      %add3A_394 = arith.addi %add3A_22, %broadcast_in_dim3A_393 : vector<16xi32>
      %gather3A_395 = tpu.vector_load_idx %arg7[%add3A_394] : memref<65536xf32, #tpu.memory_space<vmem>>[vector<16xi32>], vector<16xf32>,
      %add3A_396 = arith.addi %mul3A_18, %broadcast_in_dim3A_393 : vector<16xi32>
      %gather3A_397 = tpu.vector_load_idx %arg8[%add3A_396] : memref<1280xf32, #tpu.memory_space<vmem>>[vector<16xi32>], vector<16xf32>,
      %mul3A_398 = arith.mulf %gather3A_395, %gather3A_397 : vector<16xf32>
      %add3A_399 = arith.addf %add3A_391, %mul3A_398 : vector<16xf32>
      %broadcast_in_dim3A_400 = arith.constant 47 : i32
      %broadcast_in_dim3A_401 = vector.broadcast %broadcast_in_dim3A_400 : i32 to vector<16xi32>
      %add3A_402 = arith.addi %add3A_22, %broadcast_in_dim3A_401 : vector<16xi32>
      %gather3A_403 = tpu.vector_load_idx %arg7[%add3A_402] : memref<65536xf32, #tpu.memory_space<vmem>>[vector<16xi32>], vector<16xf32>,
      %add3A_404 = arith.addi %mul3A_18, %broadcast_in_dim3A_401 : vector<16xi32>
      %gather3A_405 = tpu.vector_load_idx %arg8[%add3A_404] : memref<1280xf32, #tpu.memory_space<vmem>>[vector<16xi32>], vector<16xf32>,
      %mul3A_406 = arith.mulf %gather3A_403, %gather3A_405 : vector<16xf32>
      %add3A_407 = arith.addf %add3A_399, %mul3A_406 : vector<16xf32>
      %broadcast_in_dim3A_408 = arith.constant 48 : i32
      %broadcast_in_dim3A_409 = vector.broadcast %broadcast_in_dim3A_408 : i32 to vector<16xi32>
      %add3A_410 = arith.addi %add3A_22, %broadcast_in_dim3A_409 : vector<16xi32>
      %gather3A_411 = tpu.vector_load_idx %arg7[%add3A_410] : memref<65536xf32, #tpu.memory_space<vmem>>[vector<16xi32>], vector<16xf32>,
      %add3A_412 = arith.addi %mul3A_18, %broadcast_in_dim3A_409 : vector<16xi32>
      %gather3A_413 = tpu.vector_load_idx %arg8[%add3A_412] : memref<1280xf32, #tpu.memory_space<vmem>>[vector<16xi32>], vector<16xf32>,
      %mul3A_414 = arith.mulf %gather3A_411, %gather3A_413 : vector<16xf32>
      %add3A_415 = arith.addf %add3A_407, %mul3A_414 : vector<16xf32>
      %broadcast_in_dim3A_416 = arith.constant 49 : i32
      %broadcast_in_dim3A_417 = vector.broadcast %broadcast_in_dim3A_416 : i32 to vector<16xi32>
      %add3A_418 = arith.addi %add3A_22, %broadcast_in_dim3A_417 : vector<16xi32>
      %gather3A_419 = tpu.vector_load_idx %arg7[%add3A_418] : memref<65536xf32, #tpu.memory_space<vmem>>[vector<16xi32>], vector<16xf32>,
      %add3A_420 = arith.addi %mul3A_18, %broadcast_in_dim3A_417 : vector<16xi32>
      %gather3A_421 = tpu.vector_load_idx %arg8[%add3A_420] : memref<1280xf32, #tpu.memory_space<vmem>>[vector<16xi32>], vector<16xf32>,
      %mul3A_422 = arith.mulf %gather3A_419, %gather3A_421 : vector<16xf32>
      %add3A_423 = arith.addf %add3A_415, %mul3A_422 : vector<16xf32>
      %broadcast_in_dim3A_424 = arith.constant 50 : i32
      %broadcast_in_dim3A_425 = vector.broadcast %broadcast_in_dim3A_424 : i32 to vector<16xi32>
      %add3A_426 = arith.addi %add3A_22, %broadcast_in_dim3A_425 : vector<16xi32>
      %gather3A_427 = tpu.vector_load_idx %arg7[%add3A_426] : memref<65536xf32, #tpu.memory_space<vmem>>[vector<16xi32>], vector<16xf32>,
      %add3A_428 = arith.addi %mul3A_18, %broadcast_in_dim3A_425 : vector<16xi32>
      %gather3A_429 = tpu.vector_load_idx %arg8[%add3A_428] : memref<1280xf32, #tpu.memory_space<vmem>>[vector<16xi32>], vector<16xf32>,
      %mul3A_430 = arith.mulf %gather3A_427, %gather3A_429 : vector<16xf32>
      %add3A_431 = arith.addf %add3A_423, %mul3A_430 : vector<16xf32>
      %broadcast_in_dim3A_432 = arith.constant 51 : i32
      %broadcast_in_dim3A_433 = vector.broadcast %broadcast_in_dim3A_432 : i32 to vector<16xi32>
      %add3A_434 = arith.addi %add3A_22, %broadcast_in_dim3A_433 : vector<16xi32>
      %gather3A_435 = tpu.vector_load_idx %arg7[%add3A_434] : memref<65536xf32, #tpu.memory_space<vmem>>[vector<16xi32>], vector<16xf32>,
      %add3A_436 = arith.addi %mul3A_18, %broadcast_in_dim3A_433 : vector<16xi32>
      %gather3A_437 = tpu.vector_load_idx %arg8[%add3A_436] : memref<1280xf32, #tpu.memory_space<vmem>>[vector<16xi32>], vector<16xf32>,
      %mul3A_438 = arith.mulf %gather3A_435, %gather3A_437 : vector<16xf32>
      %add3A_439 = arith.addf %add3A_431, %mul3A_438 : vector<16xf32>
      %broadcast_in_dim3A_440 = arith.constant 52 : i32
      %broadcast_in_dim3A_441 = vector.broadcast %broadcast_in_dim3A_440 : i32 to vector<16xi32>
      %add3A_442 = arith.addi %add3A_22, %broadcast_in_dim3A_441 : vector<16xi32>
      %gather3A_443 = tpu.vector_load_idx %arg7[%add3A_442] : memref<65536xf32, #tpu.memory_space<vmem>>[vector<16xi32>], vector<16xf32>,
      %add3A_444 = arith.addi %mul3A_18, %broadcast_in_dim3A_441 : vector<16xi32>
      %gather3A_445 = tpu.vector_load_idx %arg8[%add3A_444] : memref<1280xf32, #tpu.memory_space<vmem>>[vector<16xi32>], vector<16xf32>,
      %mul3A_446 = arith.mulf %gather3A_443, %gather3A_445 : vector<16xf32>
      %add3A_447 = arith.addf %add3A_439, %mul3A_446 : vector<16xf32>
      %broadcast_in_dim3A_448 = arith.constant 53 : i32
      %broadcast_in_dim3A_449 = vector.broadcast %broadcast_in_dim3A_448 : i32 to vector<16xi32>
      %add3A_450 = arith.addi %add3A_22, %broadcast_in_dim3A_449 : vector<16xi32>
      %gather3A_451 = tpu.vector_load_idx %arg7[%add3A_450] : memref<65536xf32, #tpu.memory_space<vmem>>[vector<16xi32>], vector<16xf32>,
      %add3A_452 = arith.addi %mul3A_18, %broadcast_in_dim3A_449 : vector<16xi32>
      %gather3A_453 = tpu.vector_load_idx %arg8[%add3A_452] : memref<1280xf32, #tpu.memory_space<vmem>>[vector<16xi32>], vector<16xf32>,
      %mul3A_454 = arith.mulf %gather3A_451, %gather3A_453 : vector<16xf32>
      %add3A_455 = arith.addf %add3A_447, %mul3A_454 : vector<16xf32>
      %broadcast_in_dim3A_456 = arith.constant 54 : i32
      %broadcast_in_dim3A_457 = vector.broadcast %broadcast_in_dim3A_456 : i32 to vector<16xi32>
      %add3A_458 = arith.addi %add3A_22, %broadcast_in_dim3A_457 : vector<16xi32>
      %gather3A_459 = tpu.vector_load_idx %arg7[%add3A_458] : memref<65536xf32, #tpu.memory_space<vmem>>[vector<16xi32>], vector<16xf32>,
      %add3A_460 = arith.addi %mul3A_18, %broadcast_in_dim3A_457 : vector<16xi32>
      %gather3A_461 = tpu.vector_load_idx %arg8[%add3A_460] : memref<1280xf32, #tpu.memory_space<vmem>>[vector<16xi32>], vector<16xf32>,
      %mul3A_462 = arith.mulf %gather3A_459, %gather3A_461 : vector<16xf32>
      %add3A_463 = arith.addf %add3A_455, %mul3A_462 : vector<16xf32>
      %broadcast_in_dim3A_464 = arith.constant 55 : i32
      %broadcast_in_dim3A_465 = vector.broadcast %broadcast_in_dim3A_464 : i32 to vector<16xi32>
      %add3A_466 = arith.addi %add3A_22, %broadcast_in_dim3A_465 : vector<16xi32>
      %gather3A_467 = tpu.vector_load_idx %arg7[%add3A_466] : memref<65536xf32, #tpu.memory_space<vmem>>[vector<16xi32>], vector<16xf32>,
      %add3A_468 = arith.addi %mul3A_18, %broadcast_in_dim3A_465 : vector<16xi32>
      %gather3A_469 = tpu.vector_load_idx %arg8[%add3A_468] : memref<1280xf32, #tpu.memory_space<vmem>>[vector<16xi32>], vector<16xf32>,
      %mul3A_470 = arith.mulf %gather3A_467, %gather3A_469 : vector<16xf32>
      %add3A_471 = arith.addf %add3A_463, %mul3A_470 : vector<16xf32>
      %broadcast_in_dim3A_472 = arith.constant 56 : i32
      %broadcast_in_dim3A_473 = vector.broadcast %broadcast_in_dim3A_472 : i32 to vector<16xi32>
      %add3A_474 = arith.addi %add3A_22, %broadcast_in_dim3A_473 : vector<16xi32>
      %gather3A_475 = tpu.vector_load_idx %arg7[%add3A_474] : memref<65536xf32, #tpu.memory_space<vmem>>[vector<16xi32>], vector<16xf32>,
      %add3A_476 = arith.addi %mul3A_18, %broadcast_in_dim3A_473 : vector<16xi32>
      %gather3A_477 = tpu.vector_load_idx %arg8[%add3A_476] : memref<1280xf32, #tpu.memory_space<vmem>>[vector<16xi32>], vector<16xf32>,
      %mul3A_478 = arith.mulf %gather3A_475, %gather3A_477 : vector<16xf32>
      %add3A_479 = arith.addf %add3A_471, %mul3A_478 : vector<16xf32>
      %broadcast_in_dim3A_480 = arith.constant 57 : i32
      %broadcast_in_dim3A_481 = vector.broadcast %broadcast_in_dim3A_480 : i32 to vector<16xi32>
      %add3A_482 = arith.addi %add3A_22, %broadcast_in_dim3A_481 : vector<16xi32>
      %gather3A_483 = tpu.vector_load_idx %arg7[%add3A_482] : memref<65536xf32, #tpu.memory_space<vmem>>[vector<16xi32>], vector<16xf32>,
      %add3A_484 = arith.addi %mul3A_18, %broadcast_in_dim3A_481 : vector<16xi32>
      %gather3A_485 = tpu.vector_load_idx %arg8[%add3A_484] : memref<1280xf32, #tpu.memory_space<vmem>>[vector<16xi32>], vector<16xf32>,
      %mul3A_486 = arith.mulf %gather3A_483, %gather3A_485 : vector<16xf32>
      %add3A_487 = arith.addf %add3A_479, %mul3A_486 : vector<16xf32>
      %broadcast_in_dim3A_488 = arith.constant 58 : i32
      %broadcast_in_dim3A_489 = vector.broadcast %broadcast_in_dim3A_488 : i32 to vector<16xi32>
      %add3A_490 = arith.addi %add3A_22, %broadcast_in_dim3A_489 : vector<16xi32>
      %gather3A_491 = tpu.vector_load_idx %arg7[%add3A_490] : memref<65536xf32, #tpu.memory_space<vmem>>[vector<16xi32>], vector<16xf32>,
      %add3A_492 = arith.addi %mul3A_18, %broadcast_in_dim3A_489 : vector<16xi32>
      %gather3A_493 = tpu.vector_load_idx %arg8[%add3A_492] : memref<1280xf32, #tpu.memory_space<vmem>>[vector<16xi32>], vector<16xf32>,
      %mul3A_494 = arith.mulf %gather3A_491, %gather3A_493 : vector<16xf32>
      %add3A_495 = arith.addf %add3A_487, %mul3A_494 : vector<16xf32>
      %broadcast_in_dim3A_496 = arith.constant 59 : i32
      %broadcast_in_dim3A_497 = vector.broadcast %broadcast_in_dim3A_496 : i32 to vector<16xi32>
      %add3A_498 = arith.addi %add3A_22, %broadcast_in_dim3A_497 : vector<16xi32>
      %gather3A_499 = tpu.vector_load_idx %arg7[%add3A_498] : memref<65536xf32, #tpu.memory_space<vmem>>[vector<16xi32>], vector<16xf32>,
      %add3A_500 = arith.addi %mul3A_18, %broadcast_in_dim3A_497 : vector<16xi32>
      %gather3A_501 = tpu.vector_load_idx %arg8[%add3A_500] : memref<1280xf32, #tpu.memory_space<vmem>>[vector<16xi32>], vector<16xf32>,
      %mul3A_502 = arith.mulf %gather3A_499, %gather3A_501 : vector<16xf32>
      %add3A_503 = arith.addf %add3A_495, %mul3A_502 : vector<16xf32>
      %broadcast_in_dim3A_504 = arith.constant 60 : i32
      %broadcast_in_dim3A_505 = vector.broadcast %broadcast_in_dim3A_504 : i32 to vector<16xi32>
      %add3A_506 = arith.addi %add3A_22, %broadcast_in_dim3A_505 : vector<16xi32>
      %gather3A_507 = tpu.vector_load_idx %arg7[%add3A_506] : memref<65536xf32, #tpu.memory_space<vmem>>[vector<16xi32>], vector<16xf32>,
      %add3A_508 = arith.addi %mul3A_18, %broadcast_in_dim3A_505 : vector<16xi32>
      %gather3A_509 = tpu.vector_load_idx %arg8[%add3A_508] : memref<1280xf32, #tpu.memory_space<vmem>>[vector<16xi32>], vector<16xf32>,
      %mul3A_510 = arith.mulf %gather3A_507, %gather3A_509 : vector<16xf32>
      %add3A_511 = arith.addf %add3A_503, %mul3A_510 : vector<16xf32>
      %broadcast_in_dim3A_512 = arith.constant 61 : i32
      %broadcast_in_dim3A_513 = vector.broadcast %broadcast_in_dim3A_512 : i32 to vector<16xi32>
      %add3A_514 = arith.addi %add3A_22, %broadcast_in_dim3A_513 : vector<16xi32>
      %gather3A_515 = tpu.vector_load_idx %arg7[%add3A_514] : memref<65536xf32, #tpu.memory_space<vmem>>[vector<16xi32>], vector<16xf32>,
      %add3A_516 = arith.addi %mul3A_18, %broadcast_in_dim3A_513 : vector<16xi32>
      %gather3A_517 = tpu.vector_load_idx %arg8[%add3A_516] : memref<1280xf32, #tpu.memory_space<vmem>>[vector<16xi32>], vector<16xf32>,
      %mul3A_518 = arith.mulf %gather3A_515, %gather3A_517 : vector<16xf32>
      %add3A_519 = arith.addf %add3A_511, %mul3A_518 : vector<16xf32>
      %broadcast_in_dim3A_520 = arith.constant 62 : i32
      %broadcast_in_dim3A_521 = vector.broadcast %broadcast_in_dim3A_520 : i32 to vector<16xi32>
      %add3A_522 = arith.addi %add3A_22, %broadcast_in_dim3A_521 : vector<16xi32>
      %gather3A_523 = tpu.vector_load_idx %arg7[%add3A_522] : memref<65536xf32, #tpu.memory_space<vmem>>[vector<16xi32>], vector<16xf32>,
      %add3A_524 = arith.addi %mul3A_18, %broadcast_in_dim3A_521 : vector<16xi32>
      %gather3A_525 = tpu.vector_load_idx %arg8[%add3A_524] : memref<1280xf32, #tpu.memory_space<vmem>>[vector<16xi32>], vector<16xf32>,
      %mul3A_526 = arith.mulf %gather3A_523, %gather3A_525 : vector<16xf32>
      %add3A_527 = arith.addf %add3A_519, %mul3A_526 : vector<16xf32>
      %broadcast_in_dim3A_528 = arith.constant 63 : i32
      %broadcast_in_dim3A_529 = vector.broadcast %broadcast_in_dim3A_528 : i32 to vector<16xi32>
      %add3A_530 = arith.addi %add3A_22, %broadcast_in_dim3A_529 : vector<16xi32>
      %gather3A_531 = tpu.vector_load_idx %arg7[%add3A_530] : memref<65536xf32, #tpu.memory_space<vmem>>[vector<16xi32>], vector<16xf32>,
      %add3A_532 = arith.addi %mul3A_18, %broadcast_in_dim3A_529 : vector<16xi32>
      %gather3A_533 = tpu.vector_load_idx %arg8[%add3A_532] : memref<1280xf32, #tpu.memory_space<vmem>>[vector<16xi32>], vector<16xf32>,
      %mul3A_534 = arith.mulf %gather3A_531, %gather3A_533 : vector<16xf32>
      %add3A_535 = arith.addf %add3A_527, %mul3A_534 : vector<16xf32>
      %broadcast_in_dim3A_536 = arith.constant 64 : i32
      %broadcast_in_dim3A_537 = vector.broadcast %broadcast_in_dim3A_536 : i32 to vector<16xi32>
      %add3A_538 = arith.addi %add3A_22, %broadcast_in_dim3A_537 : vector<16xi32>
      %gather3A_539 = tpu.vector_load_idx %arg7[%add3A_538] : memref<65536xf32, #tpu.memory_space<vmem>>[vector<16xi32>], vector<16xf32>,
      %add3A_540 = arith.addi %mul3A_18, %broadcast_in_dim3A_537 : vector<16xi32>
      %gather3A_541 = tpu.vector_load_idx %arg8[%add3A_540] : memref<1280xf32, #tpu.memory_space<vmem>>[vector<16xi32>], vector<16xf32>,
      %mul3A_542 = arith.mulf %gather3A_539, %gather3A_541 : vector<16xf32>
      %add3A_543 = arith.addf %add3A_535, %mul3A_542 : vector<16xf32>
      %broadcast_in_dim3A_544 = arith.constant 65 : i32
      %broadcast_in_dim3A_545 = vector.broadcast %broadcast_in_dim3A_544 : i32 to vector<16xi32>
      %add3A_546 = arith.addi %add3A_22, %broadcast_in_dim3A_545 : vector<16xi32>
      %gather3A_547 = tpu.vector_load_idx %arg7[%add3A_546] : memref<65536xf32, #tpu.memory_space<vmem>>[vector<16xi32>], vector<16xf32>,
      %add3A_548 = arith.addi %mul3A_18, %broadcast_in_dim3A_545 : vector<16xi32>
      %gather3A_549 = tpu.vector_load_idx %arg8[%add3A_548] : memref<1280xf32, #tpu.memory_space<vmem>>[vector<16xi32>], vector<16xf32>,
      %mul3A_550 = arith.mulf %gather3A_547, %gather3A_549 : vector<16xf32>
      %add3A_551 = arith.addf %add3A_543, %mul3A_550 : vector<16xf32>
      %broadcast_in_dim3A_552 = arith.constant 66 : i32
      %broadcast_in_dim3A_553 = vector.broadcast %broadcast_in_dim3A_552 : i32 to vector<16xi32>
      %add3A_554 = arith.addi %add3A_22, %broadcast_in_dim3A_553 : vector<16xi32>
      %gather3A_555 = tpu.vector_load_idx %arg7[%add3A_554] : memref<65536xf32, #tpu.memory_space<vmem>>[vector<16xi32>], vector<16xf32>,
      %add3A_556 = arith.addi %mul3A_18, %broadcast_in_dim3A_553 : vector<16xi32>
      %gather3A_557 = tpu.vector_load_idx %arg8[%add3A_556] : memref<1280xf32, #tpu.memory_space<vmem>>[vector<16xi32>], vector<16xf32>,
      %mul3A_558 = arith.mulf %gather3A_555, %gather3A_557 : vector<16xf32>
      %add3A_559 = arith.addf %add3A_551, %mul3A_558 : vector<16xf32>
      %broadcast_in_dim3A_560 = arith.constant 67 : i32
      %broadcast_in_dim3A_561 = vector.broadcast %broadcast_in_dim3A_560 : i32 to vector<16xi32>
      %add3A_562 = arith.addi %add3A_22, %broadcast_in_dim3A_561 : vector<16xi32>
      %gather3A_563 = tpu.vector_load_idx %arg7[%add3A_562] : memref<65536xf32, #tpu.memory_space<vmem>>[vector<16xi32>], vector<16xf32>,
      %add3A_564 = arith.addi %mul3A_18, %broadcast_in_dim3A_561 : vector<16xi32>
      %gather3A_565 = tpu.vector_load_idx %arg8[%add3A_564] : memref<1280xf32, #tpu.memory_space<vmem>>[vector<16xi32>], vector<16xf32>,
      %mul3A_566 = arith.mulf %gather3A_563, %gather3A_565 : vector<16xf32>
      %add3A_567 = arith.addf %add3A_559, %mul3A_566 : vector<16xf32>
      %broadcast_in_dim3A_568 = arith.constant 68 : i32
      %broadcast_in_dim3A_569 = vector.broadcast %broadcast_in_dim3A_568 : i32 to vector<16xi32>
      %add3A_570 = arith.addi %add3A_22, %broadcast_in_dim3A_569 : vector<16xi32>
      %gather3A_571 = tpu.vector_load_idx %arg7[%add3A_570] : memref<65536xf32, #tpu.memory_space<vmem>>[vector<16xi32>], vector<16xf32>,
      %add3A_572 = arith.addi %mul3A_18, %broadcast_in_dim3A_569 : vector<16xi32>
      %gather3A_573 = tpu.vector_load_idx %arg8[%add3A_572] : memref<1280xf32, #tpu.memory_space<vmem>>[vector<16xi32>], vector<16xf32>,
      %mul3A_574 = arith.mulf %gather3A_571, %gather3A_573 : vector<16xf32>
      %add3A_575 = arith.addf %add3A_567, %mul3A_574 : vector<16xf32>
      %broadcast_in_dim3A_576 = arith.constant 69 : i32
      %broadcast_in_dim3A_577 = vector.broadcast %broadcast_in_dim3A_576 : i32 to vector<16xi32>
      %add3A_578 = arith.addi %add3A_22, %broadcast_in_dim3A_577 : vector<16xi32>
      %gather3A_579 = tpu.vector_load_idx %arg7[%add3A_578] : memref<65536xf32, #tpu.memory_space<vmem>>[vector<16xi32>], vector<16xf32>,
      %add3A_580 = arith.addi %mul3A_18, %broadcast_in_dim3A_577 : vector<16xi32>
      %gather3A_581 = tpu.vector_load_idx %arg8[%add3A_580] : memref<1280xf32, #tpu.memory_space<vmem>>[vector<16xi32>], vector<16xf32>,
      %mul3A_582 = arith.mulf %gather3A_579, %gather3A_581 : vector<16xf32>
      %add3A_583 = arith.addf %add3A_575, %mul3A_582 : vector<16xf32>
      %broadcast_in_dim3A_584 = arith.constant 70 : i32
      %broadcast_in_dim3A_585 = vector.broadcast %broadcast_in_dim3A_584 : i32 to vector<16xi32>
      %add3A_586 = arith.addi %add3A_22, %broadcast_in_dim3A_585 : vector<16xi32>
      %gather3A_587 = tpu.vector_load_idx %arg7[%add3A_586] : memref<65536xf32, #tpu.memory_space<vmem>>[vector<16xi32>], vector<16xf32>,
      %add3A_588 = arith.addi %mul3A_18, %broadcast_in_dim3A_585 : vector<16xi32>
      %gather3A_589 = tpu.vector_load_idx %arg8[%add3A_588] : memref<1280xf32, #tpu.memory_space<vmem>>[vector<16xi32>], vector<16xf32>,
      %mul3A_590 = arith.mulf %gather3A_587, %gather3A_589 : vector<16xf32>
      %add3A_591 = arith.addf %add3A_583, %mul3A_590 : vector<16xf32>
      %broadcast_in_dim3A_592 = arith.constant 71 : i32
      %broadcast_in_dim3A_593 = vector.broadcast %broadcast_in_dim3A_592 : i32 to vector<16xi32>
      %add3A_594 = arith.addi %add3A_22, %broadcast_in_dim3A_593 : vector<16xi32>
      %gather3A_595 = tpu.vector_load_idx %arg7[%add3A_594] : memref<65536xf32, #tpu.memory_space<vmem>>[vector<16xi32>], vector<16xf32>,
      %add3A_596 = arith.addi %mul3A_18, %broadcast_in_dim3A_593 : vector<16xi32>
      %gather3A_597 = tpu.vector_load_idx %arg8[%add3A_596] : memref<1280xf32, #tpu.memory_space<vmem>>[vector<16xi32>], vector<16xf32>,
      %mul3A_598 = arith.mulf %gather3A_595, %gather3A_597 : vector<16xf32>
      %add3A_599 = arith.addf %add3A_591, %mul3A_598 : vector<16xf32>
      %broadcast_in_dim3A_600 = arith.constant 72 : i32
      %broadcast_in_dim3A_601 = vector.broadcast %broadcast_in_dim3A_600 : i32 to vector<16xi32>
      %add3A_602 = arith.addi %add3A_22, %broadcast_in_dim3A_601 : vector<16xi32>
      %gather3A_603 = tpu.vector_load_idx %arg7[%add3A_602] : memref<65536xf32, #tpu.memory_space<vmem>>[vector<16xi32>], vector<16xf32>,
      %add3A_604 = arith.addi %mul3A_18, %broadcast_in_dim3A_601 : vector<16xi32>
      %gather3A_605 = tpu.vector_load_idx %arg8[%add3A_604] : memref<1280xf32, #tpu.memory_space<vmem>>[vector<16xi32>], vector<16xf32>,
      %mul3A_606 = arith.mulf %gather3A_603, %gather3A_605 : vector<16xf32>
      %add3A_607 = arith.addf %add3A_599, %mul3A_606 : vector<16xf32>
      %broadcast_in_dim3A_608 = arith.constant 73 : i32
      %broadcast_in_dim3A_609 = vector.broadcast %broadcast_in_dim3A_608 : i32 to vector<16xi32>
      %add3A_610 = arith.addi %add3A_22, %broadcast_in_dim3A_609 : vector<16xi32>
      %gather3A_611 = tpu.vector_load_idx %arg7[%add3A_610] : memref<65536xf32, #tpu.memory_space<vmem>>[vector<16xi32>], vector<16xf32>,
      %add3A_612 = arith.addi %mul3A_18, %broadcast_in_dim3A_609 : vector<16xi32>
      %gather3A_613 = tpu.vector_load_idx %arg8[%add3A_612] : memref<1280xf32, #tpu.memory_space<vmem>>[vector<16xi32>], vector<16xf32>,
      %mul3A_614 = arith.mulf %gather3A_611, %gather3A_613 : vector<16xf32>
      %add3A_615 = arith.addf %add3A_607, %mul3A_614 : vector<16xf32>
      %broadcast_in_dim3A_616 = arith.constant 74 : i32
      %broadcast_in_dim3A_617 = vector.broadcast %broadcast_in_dim3A_616 : i32 to vector<16xi32>
      %add3A_618 = arith.addi %add3A_22, %broadcast_in_dim3A_617 : vector<16xi32>
      %gather3A_619 = tpu.vector_load_idx %arg7[%add3A_618] : memref<65536xf32, #tpu.memory_space<vmem>>[vector<16xi32>], vector<16xf32>,
      %add3A_620 = arith.addi %mul3A_18, %broadcast_in_dim3A_617 : vector<16xi32>
      %gather3A_621 = tpu.vector_load_idx %arg8[%add3A_620] : memref<1280xf32, #tpu.memory_space<vmem>>[vector<16xi32>], vector<16xf32>,
      %mul3A_622 = arith.mulf %gather3A_619, %gather3A_621 : vector<16xf32>
      %add3A_623 = arith.addf %add3A_615, %mul3A_622 : vector<16xf32>
      %broadcast_in_dim3A_624 = arith.constant 75 : i32
      %broadcast_in_dim3A_625 = vector.broadcast %broadcast_in_dim3A_624 : i32 to vector<16xi32>
      %add3A_626 = arith.addi %add3A_22, %broadcast_in_dim3A_625 : vector<16xi32>
      %gather3A_627 = tpu.vector_load_idx %arg7[%add3A_626] : memref<65536xf32, #tpu.memory_space<vmem>>[vector<16xi32>], vector<16xf32>,
      %add3A_628 = arith.addi %mul3A_18, %broadcast_in_dim3A_625 : vector<16xi32>
      %gather3A_629 = tpu.vector_load_idx %arg8[%add3A_628] : memref<1280xf32, #tpu.memory_space<vmem>>[vector<16xi32>], vector<16xf32>,
      %mul3A_630 = arith.mulf %gather3A_627, %gather3A_629 : vector<16xf32>
      %add3A_631 = arith.addf %add3A_623, %mul3A_630 : vector<16xf32>
      %broadcast_in_dim3A_632 = arith.constant 76 : i32
      %broadcast_in_dim3A_633 = vector.broadcast %broadcast_in_dim3A_632 : i32 to vector<16xi32>
      %add3A_634 = arith.addi %add3A_22, %broadcast_in_dim3A_633 : vector<16xi32>
      %gather3A_635 = tpu.vector_load_idx %arg7[%add3A_634] : memref<65536xf32, #tpu.memory_space<vmem>>[vector<16xi32>], vector<16xf32>,
      %add3A_636 = arith.addi %mul3A_18, %broadcast_in_dim3A_633 : vector<16xi32>
      %gather3A_637 = tpu.vector_load_idx %arg8[%add3A_636] : memref<1280xf32, #tpu.memory_space<vmem>>[vector<16xi32>], vector<16xf32>,
      %mul3A_638 = arith.mulf %gather3A_635, %gather3A_637 : vector<16xf32>
      %add3A_639 = arith.addf %add3A_631, %mul3A_638 : vector<16xf32>
      %broadcast_in_dim3A_640 = arith.constant 77 : i32
      %broadcast_in_dim3A_641 = vector.broadcast %broadcast_in_dim3A_640 : i32 to vector<16xi32>
      %add3A_642 = arith.addi %add3A_22, %broadcast_in_dim3A_641 : vector<16xi32>
      %gather3A_643 = tpu.vector_load_idx %arg7[%add3A_642] : memref<65536xf32, #tpu.memory_space<vmem>>[vector<16xi32>], vector<16xf32>,
      %add3A_644 = arith.addi %mul3A_18, %broadcast_in_dim3A_641 : vector<16xi32>
      %gather3A_645 = tpu.vector_load_idx %arg8[%add3A_644] : memref<1280xf32, #tpu.memory_space<vmem>>[vector<16xi32>], vector<16xf32>,
      %mul3A_646 = arith.mulf %gather3A_643, %gather3A_645 : vector<16xf32>
      %add3A_647 = arith.addf %add3A_639, %mul3A_646 : vector<16xf32>
      %broadcast_in_dim3A_648 = arith.constant 78 : i32
      %broadcast_in_dim3A_649 = vector.broadcast %broadcast_in_dim3A_648 : i32 to vector<16xi32>
      %add3A_650 = arith.addi %add3A_22, %broadcast_in_dim3A_649 : vector<16xi32>
      %gather3A_651 = tpu.vector_load_idx %arg7[%add3A_650] : memref<65536xf32, #tpu.memory_space<vmem>>[vector<16xi32>], vector<16xf32>,
      %add3A_652 = arith.addi %mul3A_18, %broadcast_in_dim3A_649 : vector<16xi32>
      %gather3A_653 = tpu.vector_load_idx %arg8[%add3A_652] : memref<1280xf32, #tpu.memory_space<vmem>>[vector<16xi32>], vector<16xf32>,
      %mul3A_654 = arith.mulf %gather3A_651, %gather3A_653 : vector<16xf32>
      %add3A_655 = arith.addf %add3A_647, %mul3A_654 : vector<16xf32>
      %broadcast_in_dim3A_656 = arith.constant 79 : i32
      %broadcast_in_dim3A_657 = vector.broadcast %broadcast_in_dim3A_656 : i32 to vector<16xi32>
      %add3A_658 = arith.addi %add3A_22, %broadcast_in_dim3A_657 : vector<16xi32>
      %gather3A_659 = tpu.vector_load_idx %arg7[%add3A_658] : memref<65536xf32, #tpu.memory_space<vmem>>[vector<16xi32>], vector<16xf32>,
      %add3A_660 = arith.addi %mul3A_18, %broadcast_in_dim3A_657 : vector<16xi32>
      %gather3A_661 = tpu.vector_load_idx %arg8[%add3A_660] : memref<1280xf32, #tpu.memory_space<vmem>>[vector<16xi32>], vector<16xf32>,
      %mul3A_662 = arith.mulf %gather3A_659, %gather3A_661 : vector<16xf32>
      %add3A_663 = arith.addf %add3A_655, %mul3A_662 : vector<16xf32>
      %broadcast_in_dim3A_664 = arith.constant 80 : i32
      %broadcast_in_dim3A_665 = vector.broadcast %broadcast_in_dim3A_664 : i32 to vector<16xi32>
      %add3A_666 = arith.addi %add3A_22, %broadcast_in_dim3A_665 : vector<16xi32>
      %gather3A_667 = tpu.vector_load_idx %arg7[%add3A_666] : memref<65536xf32, #tpu.memory_space<vmem>>[vector<16xi32>], vector<16xf32>,
      %add3A_668 = arith.addi %mul3A_18, %broadcast_in_dim3A_665 : vector<16xi32>
      %gather3A_669 = tpu.vector_load_idx %arg8[%add3A_668] : memref<1280xf32, #tpu.memory_space<vmem>>[vector<16xi32>], vector<16xf32>,
      %mul3A_670 = arith.mulf %gather3A_667, %gather3A_669 : vector<16xf32>
      %add3A_671 = arith.addf %add3A_663, %mul3A_670 : vector<16xf32>
      %broadcast_in_dim3A_672 = arith.constant 81 : i32
      %broadcast_in_dim3A_673 = vector.broadcast %broadcast_in_dim3A_672 : i32 to vector<16xi32>
      %add3A_674 = arith.addi %add3A_22, %broadcast_in_dim3A_673 : vector<16xi32>
      %gather3A_675 = tpu.vector_load_idx %arg7[%add3A_674] : memref<65536xf32, #tpu.memory_space<vmem>>[vector<16xi32>], vector<16xf32>,
      %add3A_676 = arith.addi %mul3A_18, %broadcast_in_dim3A_673 : vector<16xi32>
      %gather3A_677 = tpu.vector_load_idx %arg8[%add3A_676] : memref<1280xf32, #tpu.memory_space<vmem>>[vector<16xi32>], vector<16xf32>,
      %mul3A_678 = arith.mulf %gather3A_675, %gather3A_677 : vector<16xf32>
      %add3A_679 = arith.addf %add3A_671, %mul3A_678 : vector<16xf32>
      %broadcast_in_dim3A_680 = arith.constant 82 : i32
      %broadcast_in_dim3A_681 = vector.broadcast %broadcast_in_dim3A_680 : i32 to vector<16xi32>
      %add3A_682 = arith.addi %add3A_22, %broadcast_in_dim3A_681 : vector<16xi32>
      %gather3A_683 = tpu.vector_load_idx %arg7[%add3A_682] : memref<65536xf32, #tpu.memory_space<vmem>>[vector<16xi32>], vector<16xf32>,
      %add3A_684 = arith.addi %mul3A_18, %broadcast_in_dim3A_681 : vector<16xi32>
      %gather3A_685 = tpu.vector_load_idx %arg8[%add3A_684] : memref<1280xf32, #tpu.memory_space<vmem>>[vector<16xi32>], vector<16xf32>,
      %mul3A_686 = arith.mulf %gather3A_683, %gather3A_685 : vector<16xf32>
      %add3A_687 = arith.addf %add3A_679, %mul3A_686 : vector<16xf32>
      %broadcast_in_dim3A_688 = arith.constant 83 : i32
      %broadcast_in_dim3A_689 = vector.broadcast %broadcast_in_dim3A_688 : i32 to vector<16xi32>
      %add3A_690 = arith.addi %add3A_22, %broadcast_in_dim3A_689 : vector<16xi32>
      %gather3A_691 = tpu.vector_load_idx %arg7[%add3A_690] : memref<65536xf32, #tpu.memory_space<vmem>>[vector<16xi32>], vector<16xf32>,
      %add3A_692 = arith.addi %mul3A_18, %broadcast_in_dim3A_689 : vector<16xi32>
      %gather3A_693 = tpu.vector_load_idx %arg8[%add3A_692] : memref<1280xf32, #tpu.memory_space<vmem>>[vector<16xi32>], vector<16xf32>,
      %mul3A_694 = arith.mulf %gather3A_691, %gather3A_693 : vector<16xf32>
      %add3A_695 = arith.addf %add3A_687, %mul3A_694 : vector<16xf32>
      %broadcast_in_dim3A_696 = arith.constant 84 : i32
      %broadcast_in_dim3A_697 = vector.broadcast %broadcast_in_dim3A_696 : i32 to vector<16xi32>
      %add3A_698 = arith.addi %add3A_22, %broadcast_in_dim3A_697 : vector<16xi32>
      %gather3A_699 = tpu.vector_load_idx %arg7[%add3A_698] : memref<65536xf32, #tpu.memory_space<vmem>>[vector<16xi32>], vector<16xf32>,
      %add3A_700 = arith.addi %mul3A_18, %broadcast_in_dim3A_697 : vector<16xi32>
      %gather3A_701 = tpu.vector_load_idx %arg8[%add3A_700] : memref<1280xf32, #tpu.memory_space<vmem>>[vector<16xi32>], vector<16xf32>,
      %mul3A_702 = arith.mulf %gather3A_699, %gather3A_701 : vector<16xf32>
      %add3A_703 = arith.addf %add3A_695, %mul3A_702 : vector<16xf32>
      %broadcast_in_dim3A_704 = arith.constant 85 : i32
      %broadcast_in_dim3A_705 = vector.broadcast %broadcast_in_dim3A_704 : i32 to vector<16xi32>
      %add3A_706 = arith.addi %add3A_22, %broadcast_in_dim3A_705 : vector<16xi32>
      %gather3A_707 = tpu.vector_load_idx %arg7[%add3A_706] : memref<65536xf32, #tpu.memory_space<vmem>>[vector<16xi32>], vector<16xf32>,
      %add3A_708 = arith.addi %mul3A_18, %broadcast_in_dim3A_705 : vector<16xi32>
      %gather3A_709 = tpu.vector_load_idx %arg8[%add3A_708] : memref<1280xf32, #tpu.memory_space<vmem>>[vector<16xi32>], vector<16xf32>,
      %mul3A_710 = arith.mulf %gather3A_707, %gather3A_709 : vector<16xf32>
      %add3A_711 = arith.addf %add3A_703, %mul3A_710 : vector<16xf32>
      %broadcast_in_dim3A_712 = arith.constant 86 : i32
      %broadcast_in_dim3A_713 = vector.broadcast %broadcast_in_dim3A_712 : i32 to vector<16xi32>
      %add3A_714 = arith.addi %add3A_22, %broadcast_in_dim3A_713 : vector<16xi32>
      %gather3A_715 = tpu.vector_load_idx %arg7[%add3A_714] : memref<65536xf32, #tpu.memory_space<vmem>>[vector<16xi32>], vector<16xf32>,
      %add3A_716 = arith.addi %mul3A_18, %broadcast_in_dim3A_713 : vector<16xi32>
      %gather3A_717 = tpu.vector_load_idx %arg8[%add3A_716] : memref<1280xf32, #tpu.memory_space<vmem>>[vector<16xi32>], vector<16xf32>,
      %mul3A_718 = arith.mulf %gather3A_715, %gather3A_717 : vector<16xf32>
      %add3A_719 = arith.addf %add3A_711, %mul3A_718 : vector<16xf32>
      %broadcast_in_dim3A_720 = arith.constant 87 : i32
      %broadcast_in_dim3A_721 = vector.broadcast %broadcast_in_dim3A_720 : i32 to vector<16xi32>
      %add3A_722 = arith.addi %add3A_22, %broadcast_in_dim3A_721 : vector<16xi32>
      %gather3A_723 = tpu.vector_load_idx %arg7[%add3A_722] : memref<65536xf32, #tpu.memory_space<vmem>>[vector<16xi32>], vector<16xf32>,
      %add3A_724 = arith.addi %mul3A_18, %broadcast_in_dim3A_721 : vector<16xi32>
      %gather3A_725 = tpu.vector_load_idx %arg8[%add3A_724] : memref<1280xf32, #tpu.memory_space<vmem>>[vector<16xi32>], vector<16xf32>,
      %mul3A_726 = arith.mulf %gather3A_723, %gather3A_725 : vector<16xf32>
      %add3A_727 = arith.addf %add3A_719, %mul3A_726 : vector<16xf32>
      %broadcast_in_dim3A_728 = arith.constant 88 : i32
      %broadcast_in_dim3A_729 = vector.broadcast %broadcast_in_dim3A_728 : i32 to vector<16xi32>
      %add3A_730 = arith.addi %add3A_22, %broadcast_in_dim3A_729 : vector<16xi32>
      %gather3A_731 = tpu.vector_load_idx %arg7[%add3A_730] : memref<65536xf32, #tpu.memory_space<vmem>>[vector<16xi32>], vector<16xf32>,
      %add3A_732 = arith.addi %mul3A_18, %broadcast_in_dim3A_729 : vector<16xi32>
      %gather3A_733 = tpu.vector_load_idx %arg8[%add3A_732] : memref<1280xf32, #tpu.memory_space<vmem>>[vector<16xi32>], vector<16xf32>,
      %mul3A_734 = arith.mulf %gather3A_731, %gather3A_733 : vector<16xf32>
      %add3A_735 = arith.addf %add3A_727, %mul3A_734 : vector<16xf32>
      %broadcast_in_dim3A_736 = arith.constant 89 : i32
      %broadcast_in_dim3A_737 = vector.broadcast %broadcast_in_dim3A_736 : i32 to vector<16xi32>
      %add3A_738 = arith.addi %add3A_22, %broadcast_in_dim3A_737 : vector<16xi32>
      %gather3A_739 = tpu.vector_load_idx %arg7[%add3A_738] : memref<65536xf32, #tpu.memory_space<vmem>>[vector<16xi32>], vector<16xf32>,
      %add3A_740 = arith.addi %mul3A_18, %broadcast_in_dim3A_737 : vector<16xi32>
      %gather3A_741 = tpu.vector_load_idx %arg8[%add3A_740] : memref<1280xf32, #tpu.memory_space<vmem>>[vector<16xi32>], vector<16xf32>,
      %mul3A_742 = arith.mulf %gather3A_739, %gather3A_741 : vector<16xf32>
      %add3A_743 = arith.addf %add3A_735, %mul3A_742 : vector<16xf32>
      %broadcast_in_dim3A_744 = arith.constant 90 : i32
      %broadcast_in_dim3A_745 = vector.broadcast %broadcast_in_dim3A_744 : i32 to vector<16xi32>
      %add3A_746 = arith.addi %add3A_22, %broadcast_in_dim3A_745 : vector<16xi32>
      %gather3A_747 = tpu.vector_load_idx %arg7[%add3A_746] : memref<65536xf32, #tpu.memory_space<vmem>>[vector<16xi32>], vector<16xf32>,
      %add3A_748 = arith.addi %mul3A_18, %broadcast_in_dim3A_745 : vector<16xi32>
      %gather3A_749 = tpu.vector_load_idx %arg8[%add3A_748] : memref<1280xf32, #tpu.memory_space<vmem>>[vector<16xi32>], vector<16xf32>,
      %mul3A_750 = arith.mulf %gather3A_747, %gather3A_749 : vector<16xf32>
      %add3A_751 = arith.addf %add3A_743, %mul3A_750 : vector<16xf32>
      %broadcast_in_dim3A_752 = arith.constant 91 : i32
      %broadcast_in_dim3A_753 = vector.broadcast %broadcast_in_dim3A_752 : i32 to vector<16xi32>
      %add3A_754 = arith.addi %add3A_22, %broadcast_in_dim3A_753 : vector<16xi32>
      %gather3A_755 = tpu.vector_load_idx %arg7[%add3A_754] : memref<65536xf32, #tpu.memory_space<vmem>>[vector<16xi32>], vector<16xf32>,
      %add3A_756 = arith.addi %mul3A_18, %broadcast_in_dim3A_753 : vector<16xi32>
      %gather3A_757 = tpu.vector_load_idx %arg8[%add3A_756] : memref<1280xf32, #tpu.memory_space<vmem>>[vector<16xi32>], vector<16xf32>,
      %mul3A_758 = arith.mulf %gather3A_755, %gather3A_757 : vector<16xf32>
      %add3A_759 = arith.addf %add3A_751, %mul3A_758 : vector<16xf32>
      %broadcast_in_dim3A_760 = arith.constant 92 : i32
      %broadcast_in_dim3A_761 = vector.broadcast %broadcast_in_dim3A_760 : i32 to vector<16xi32>
      %add3A_762 = arith.addi %add3A_22, %broadcast_in_dim3A_761 : vector<16xi32>
      %gather3A_763 = tpu.vector_load_idx %arg7[%add3A_762] : memref<65536xf32, #tpu.memory_space<vmem>>[vector<16xi32>], vector<16xf32>,
      %add3A_764 = arith.addi %mul3A_18, %broadcast_in_dim3A_761 : vector<16xi32>
      %gather3A_765 = tpu.vector_load_idx %arg8[%add3A_764] : memref<1280xf32, #tpu.memory_space<vmem>>[vector<16xi32>], vector<16xf32>,
      %mul3A_766 = arith.mulf %gather3A_763, %gather3A_765 : vector<16xf32>
      %add3A_767 = arith.addf %add3A_759, %mul3A_766 : vector<16xf32>
      %broadcast_in_dim3A_768 = arith.constant 93 : i32
      %broadcast_in_dim3A_769 = vector.broadcast %broadcast_in_dim3A_768 : i32 to vector<16xi32>
      %add3A_770 = arith.addi %add3A_22, %broadcast_in_dim3A_769 : vector<16xi32>
      %gather3A_771 = tpu.vector_load_idx %arg7[%add3A_770] : memref<65536xf32, #tpu.memory_space<vmem>>[vector<16xi32>], vector<16xf32>,
      %add3A_772 = arith.addi %mul3A_18, %broadcast_in_dim3A_769 : vector<16xi32>
      %gather3A_773 = tpu.vector_load_idx %arg8[%add3A_772] : memref<1280xf32, #tpu.memory_space<vmem>>[vector<16xi32>], vector<16xf32>,
      %mul3A_774 = arith.mulf %gather3A_771, %gather3A_773 : vector<16xf32>
      %add3A_775 = arith.addf %add3A_767, %mul3A_774 : vector<16xf32>
      %broadcast_in_dim3A_776 = arith.constant 94 : i32
      %broadcast_in_dim3A_777 = vector.broadcast %broadcast_in_dim3A_776 : i32 to vector<16xi32>
      %add3A_778 = arith.addi %add3A_22, %broadcast_in_dim3A_777 : vector<16xi32>
      %gather3A_779 = tpu.vector_load_idx %arg7[%add3A_778] : memref<65536xf32, #tpu.memory_space<vmem>>[vector<16xi32>], vector<16xf32>,
      %add3A_780 = arith.addi %mul3A_18, %broadcast_in_dim3A_777 : vector<16xi32>
      %gather3A_781 = tpu.vector_load_idx %arg8[%add3A_780] : memref<1280xf32, #tpu.memory_space<vmem>>[vector<16xi32>], vector<16xf32>,
      %mul3A_782 = arith.mulf %gather3A_779, %gather3A_781 : vector<16xf32>
      %add3A_783 = arith.addf %add3A_775, %mul3A_782 : vector<16xf32>
      %broadcast_in_dim3A_784 = arith.constant 95 : i32
      %broadcast_in_dim3A_785 = vector.broadcast %broadcast_in_dim3A_784 : i32 to vector<16xi32>
      %add3A_786 = arith.addi %add3A_22, %broadcast_in_dim3A_785 : vector<16xi32>
      %gather3A_787 = tpu.vector_load_idx %arg7[%add3A_786] : memref<65536xf32, #tpu.memory_space<vmem>>[vector<16xi32>], vector<16xf32>,
      %add3A_788 = arith.addi %mul3A_18, %broadcast_in_dim3A_785 : vector<16xi32>
      %gather3A_789 = tpu.vector_load_idx %arg8[%add3A_788] : memref<1280xf32, #tpu.memory_space<vmem>>[vector<16xi32>], vector<16xf32>,
      %mul3A_790 = arith.mulf %gather3A_787, %gather3A_789 : vector<16xf32>
      %add3A_791 = arith.addf %add3A_783, %mul3A_790 : vector<16xf32>
      %broadcast_in_dim3A_792 = arith.constant 96 : i32
      %broadcast_in_dim3A_793 = vector.broadcast %broadcast_in_dim3A_792 : i32 to vector<16xi32>
      %add3A_794 = arith.addi %add3A_22, %broadcast_in_dim3A_793 : vector<16xi32>
      %gather3A_795 = tpu.vector_load_idx %arg7[%add3A_794] : memref<65536xf32, #tpu.memory_space<vmem>>[vector<16xi32>], vector<16xf32>,
      %add3A_796 = arith.addi %mul3A_18, %broadcast_in_dim3A_793 : vector<16xi32>
      %gather3A_797 = tpu.vector_load_idx %arg8[%add3A_796] : memref<1280xf32, #tpu.memory_space<vmem>>[vector<16xi32>], vector<16xf32>,
      %mul3A_798 = arith.mulf %gather3A_795, %gather3A_797 : vector<16xf32>
      %add3A_799 = arith.addf %add3A_791, %mul3A_798 : vector<16xf32>
      %broadcast_in_dim3A_800 = arith.constant 97 : i32
      %broadcast_in_dim3A_801 = vector.broadcast %broadcast_in_dim3A_800 : i32 to vector<16xi32>
      %add3A_802 = arith.addi %add3A_22, %broadcast_in_dim3A_801 : vector<16xi32>
      %gather3A_803 = tpu.vector_load_idx %arg7[%add3A_802] : memref<65536xf32, #tpu.memory_space<vmem>>[vector<16xi32>], vector<16xf32>,
      %add3A_804 = arith.addi %mul3A_18, %broadcast_in_dim3A_801 : vector<16xi32>
      %gather3A_805 = tpu.vector_load_idx %arg8[%add3A_804] : memref<1280xf32, #tpu.memory_space<vmem>>[vector<16xi32>], vector<16xf32>,
      %mul3A_806 = arith.mulf %gather3A_803, %gather3A_805 : vector<16xf32>
      %add3A_807 = arith.addf %add3A_799, %mul3A_806 : vector<16xf32>
      %broadcast_in_dim3A_808 = arith.constant 98 : i32
      %broadcast_in_dim3A_809 = vector.broadcast %broadcast_in_dim3A_808 : i32 to vector<16xi32>
      %add3A_810 = arith.addi %add3A_22, %broadcast_in_dim3A_809 : vector<16xi32>
      %gather3A_811 = tpu.vector_load_idx %arg7[%add3A_810] : memref<65536xf32, #tpu.memory_space<vmem>>[vector<16xi32>], vector<16xf32>,
      %add3A_812 = arith.addi %mul3A_18, %broadcast_in_dim3A_809 : vector<16xi32>
      %gather3A_813 = tpu.vector_load_idx %arg8[%add3A_812] : memref<1280xf32, #tpu.memory_space<vmem>>[vector<16xi32>], vector<16xf32>,
      %mul3A_814 = arith.mulf %gather3A_811, %gather3A_813 : vector<16xf32>
      %add3A_815 = arith.addf %add3A_807, %mul3A_814 : vector<16xf32>
      %broadcast_in_dim3A_816 = arith.constant 99 : i32
      %broadcast_in_dim3A_817 = vector.broadcast %broadcast_in_dim3A_816 : i32 to vector<16xi32>
      %add3A_818 = arith.addi %add3A_22, %broadcast_in_dim3A_817 : vector<16xi32>
      %gather3A_819 = tpu.vector_load_idx %arg7[%add3A_818] : memref<65536xf32, #tpu.memory_space<vmem>>[vector<16xi32>], vector<16xf32>,
      %add3A_820 = arith.addi %mul3A_18, %broadcast_in_dim3A_817 : vector<16xi32>
      %gather3A_821 = tpu.vector_load_idx %arg8[%add3A_820] : memref<1280xf32, #tpu.memory_space<vmem>>[vector<16xi32>], vector<16xf32>,
      %mul3A_822 = arith.mulf %gather3A_819, %gather3A_821 : vector<16xf32>
      %add3A_823 = arith.addf %add3A_815, %mul3A_822 : vector<16xf32>
      %broadcast_in_dim3A_824 = arith.constant 100 : i32
      %broadcast_in_dim3A_825 = vector.broadcast %broadcast_in_dim3A_824 : i32 to vector<16xi32>
      %add3A_826 = arith.addi %add3A_22, %broadcast_in_dim3A_825 : vector<16xi32>
      %gather3A_827 = tpu.vector_load_idx %arg7[%add3A_826] : memref<65536xf32, #tpu.memory_space<vmem>>[vector<16xi32>], vector<16xf32>,
      %add3A_828 = arith.addi %mul3A_18, %broadcast_in_dim3A_825 : vector<16xi32>
      %gather3A_829 = tpu.vector_load_idx %arg8[%add3A_828] : memref<1280xf32, #tpu.memory_space<vmem>>[vector<16xi32>], vector<16xf32>,
      %mul3A_830 = arith.mulf %gather3A_827, %gather3A_829 : vector<16xf32>
      %add3A_831 = arith.addf %add3A_823, %mul3A_830 : vector<16xf32>
      %broadcast_in_dim3A_832 = arith.constant 101 : i32
      %broadcast_in_dim3A_833 = vector.broadcast %broadcast_in_dim3A_832 : i32 to vector<16xi32>
      %add3A_834 = arith.addi %add3A_22, %broadcast_in_dim3A_833 : vector<16xi32>
      %gather3A_835 = tpu.vector_load_idx %arg7[%add3A_834] : memref<65536xf32, #tpu.memory_space<vmem>>[vector<16xi32>], vector<16xf32>,
      %add3A_836 = arith.addi %mul3A_18, %broadcast_in_dim3A_833 : vector<16xi32>
      %gather3A_837 = tpu.vector_load_idx %arg8[%add3A_836] : memref<1280xf32, #tpu.memory_space<vmem>>[vector<16xi32>], vector<16xf32>,
      %mul3A_838 = arith.mulf %gather3A_835, %gather3A_837 : vector<16xf32>
      %add3A_839 = arith.addf %add3A_831, %mul3A_838 : vector<16xf32>
      %broadcast_in_dim3A_840 = arith.constant 102 : i32
      %broadcast_in_dim3A_841 = vector.broadcast %broadcast_in_dim3A_840 : i32 to vector<16xi32>
      %add3A_842 = arith.addi %add3A_22, %broadcast_in_dim3A_841 : vector<16xi32>
      %gather3A_843 = tpu.vector_load_idx %arg7[%add3A_842] : memref<65536xf32, #tpu.memory_space<vmem>>[vector<16xi32>], vector<16xf32>,
      %add3A_844 = arith.addi %mul3A_18, %broadcast_in_dim3A_841 : vector<16xi32>
      %gather3A_845 = tpu.vector_load_idx %arg8[%add3A_844] : memref<1280xf32, #tpu.memory_space<vmem>>[vector<16xi32>], vector<16xf32>,
      %mul3A_846 = arith.mulf %gather3A_843, %gather3A_845 : vector<16xf32>
      %add3A_847 = arith.addf %add3A_839, %mul3A_846 : vector<16xf32>
      %broadcast_in_dim3A_848 = arith.constant 103 : i32
      %broadcast_in_dim3A_849 = vector.broadcast %broadcast_in_dim3A_848 : i32 to vector<16xi32>
      %add3A_850 = arith.addi %add3A_22, %broadcast_in_dim3A_849 : vector<16xi32>
      %gather3A_851 = tpu.vector_load_idx %arg7[%add3A_850] : memref<65536xf32, #tpu.memory_space<vmem>>[vector<16xi32>], vector<16xf32>,
      %add3A_852 = arith.addi %mul3A_18, %broadcast_in_dim3A_849 : vector<16xi32>
      %gather3A_853 = tpu.vector_load_idx %arg8[%add3A_852] : memref<1280xf32, #tpu.memory_space<vmem>>[vector<16xi32>], vector<16xf32>,
      %mul3A_854 = arith.mulf %gather3A_851, %gather3A_853 : vector<16xf32>
      %add3A_855 = arith.addf %add3A_847, %mul3A_854 : vector<16xf32>
      %broadcast_in_dim3A_856 = arith.constant 104 : i32
      %broadcast_in_dim3A_857 = vector.broadcast %broadcast_in_dim3A_856 : i32 to vector<16xi32>
      %add3A_858 = arith.addi %add3A_22, %broadcast_in_dim3A_857 : vector<16xi32>
      %gather3A_859 = tpu.vector_load_idx %arg7[%add3A_858] : memref<65536xf32, #tpu.memory_space<vmem>>[vector<16xi32>], vector<16xf32>,
      %add3A_860 = arith.addi %mul3A_18, %broadcast_in_dim3A_857 : vector<16xi32>
      %gather3A_861 = tpu.vector_load_idx %arg8[%add3A_860] : memref<1280xf32, #tpu.memory_space<vmem>>[vector<16xi32>], vector<16xf32>,
      %mul3A_862 = arith.mulf %gather3A_859, %gather3A_861 : vector<16xf32>
      %add3A_863 = arith.addf %add3A_855, %mul3A_862 : vector<16xf32>
      %broadcast_in_dim3A_864 = arith.constant 105 : i32
      %broadcast_in_dim3A_865 = vector.broadcast %broadcast_in_dim3A_864 : i32 to vector<16xi32>
      %add3A_866 = arith.addi %add3A_22, %broadcast_in_dim3A_865 : vector<16xi32>
      %gather3A_867 = tpu.vector_load_idx %arg7[%add3A_866] : memref<65536xf32, #tpu.memory_space<vmem>>[vector<16xi32>], vector<16xf32>,
      %add3A_868 = arith.addi %mul3A_18, %broadcast_in_dim3A_865 : vector<16xi32>
      %gather3A_869 = tpu.vector_load_idx %arg8[%add3A_868] : memref<1280xf32, #tpu.memory_space<vmem>>[vector<16xi32>], vector<16xf32>,
      %mul3A_870 = arith.mulf %gather3A_867, %gather3A_869 : vector<16xf32>
      %add3A_871 = arith.addf %add3A_863, %mul3A_870 : vector<16xf32>
      %broadcast_in_dim3A_872 = arith.constant 106 : i32
      %broadcast_in_dim3A_873 = vector.broadcast %broadcast_in_dim3A_872 : i32 to vector<16xi32>
      %add3A_874 = arith.addi %add3A_22, %broadcast_in_dim3A_873 : vector<16xi32>
      %gather3A_875 = tpu.vector_load_idx %arg7[%add3A_874] : memref<65536xf32, #tpu.memory_space<vmem>>[vector<16xi32>], vector<16xf32>,
      %add3A_876 = arith.addi %mul3A_18, %broadcast_in_dim3A_873 : vector<16xi32>
      %gather3A_877 = tpu.vector_load_idx %arg8[%add3A_876] : memref<1280xf32, #tpu.memory_space<vmem>>[vector<16xi32>], vector<16xf32>,
      %mul3A_878 = arith.mulf %gather3A_875, %gather3A_877 : vector<16xf32>
      %add3A_879 = arith.addf %add3A_871, %mul3A_878 : vector<16xf32>
      %broadcast_in_dim3A_880 = arith.constant 107 : i32
      %broadcast_in_dim3A_881 = vector.broadcast %broadcast_in_dim3A_880 : i32 to vector<16xi32>
      %add3A_882 = arith.addi %add3A_22, %broadcast_in_dim3A_881 : vector<16xi32>
      %gather3A_883 = tpu.vector_load_idx %arg7[%add3A_882] : memref<65536xf32, #tpu.memory_space<vmem>>[vector<16xi32>], vector<16xf32>,
      %add3A_884 = arith.addi %mul3A_18, %broadcast_in_dim3A_881 : vector<16xi32>
      %gather3A_885 = tpu.vector_load_idx %arg8[%add3A_884] : memref<1280xf32, #tpu.memory_space<vmem>>[vector<16xi32>], vector<16xf32>,
      %mul3A_886 = arith.mulf %gather3A_883, %gather3A_885 : vector<16xf32>
      %add3A_887 = arith.addf %add3A_879, %mul3A_886 : vector<16xf32>
      %broadcast_in_dim3A_888 = arith.constant 108 : i32
      %broadcast_in_dim3A_889 = vector.broadcast %broadcast_in_dim3A_888 : i32 to vector<16xi32>
      %add3A_890 = arith.addi %add3A_22, %broadcast_in_dim3A_889 : vector<16xi32>
      %gather3A_891 = tpu.vector_load_idx %arg7[%add3A_890] : memref<65536xf32, #tpu.memory_space<vmem>>[vector<16xi32>], vector<16xf32>,
      %add3A_892 = arith.addi %mul3A_18, %broadcast_in_dim3A_889 : vector<16xi32>
      %gather3A_893 = tpu.vector_load_idx %arg8[%add3A_892] : memref<1280xf32, #tpu.memory_space<vmem>>[vector<16xi32>], vector<16xf32>,
      %mul3A_894 = arith.mulf %gather3A_891, %gather3A_893 : vector<16xf32>
      %add3A_895 = arith.addf %add3A_887, %mul3A_894 : vector<16xf32>
      %broadcast_in_dim3A_896 = arith.constant 109 : i32
      %broadcast_in_dim3A_897 = vector.broadcast %broadcast_in_dim3A_896 : i32 to vector<16xi32>
      %add3A_898 = arith.addi %add3A_22, %broadcast_in_dim3A_897 : vector<16xi32>
      %gather3A_899 = tpu.vector_load_idx %arg7[%add3A_898] : memref<65536xf32, #tpu.memory_space<vmem>>[vector<16xi32>], vector<16xf32>,
      %add3A_900 = arith.addi %mul3A_18, %broadcast_in_dim3A_897 : vector<16xi32>
      %gather3A_901 = tpu.vector_load_idx %arg8[%add3A_900] : memref<1280xf32, #tpu.memory_space<vmem>>[vector<16xi32>], vector<16xf32>,
      %mul3A_902 = arith.mulf %gather3A_899, %gather3A_901 : vector<16xf32>
      %add3A_903 = arith.addf %add3A_895, %mul3A_902 : vector<16xf32>
      %broadcast_in_dim3A_904 = arith.constant 110 : i32
      %broadcast_in_dim3A_905 = vector.broadcast %broadcast_in_dim3A_904 : i32 to vector<16xi32>
      %add3A_906 = arith.addi %add3A_22, %broadcast_in_dim3A_905 : vector<16xi32>
      %gather3A_907 = tpu.vector_load_idx %arg7[%add3A_906] : memref<65536xf32, #tpu.memory_space<vmem>>[vector<16xi32>], vector<16xf32>,
      %add3A_908 = arith.addi %mul3A_18, %broadcast_in_dim3A_905 : vector<16xi32>
      %gather3A_909 = tpu.vector_load_idx %arg8[%add3A_908] : memref<1280xf32, #tpu.memory_space<vmem>>[vector<16xi32>], vector<16xf32>,
      %mul3A_910 = arith.mulf %gather3A_907, %gather3A_909 : vector<16xf32>
      %add3A_911 = arith.addf %add3A_903, %mul3A_910 : vector<16xf32>
      %broadcast_in_dim3A_912 = arith.constant 111 : i32
      %broadcast_in_dim3A_913 = vector.broadcast %broadcast_in_dim3A_912 : i32 to vector<16xi32>
      %add3A_914 = arith.addi %add3A_22, %broadcast_in_dim3A_913 : vector<16xi32>
      %gather3A_915 = tpu.vector_load_idx %arg7[%add3A_914] : memref<65536xf32, #tpu.memory_space<vmem>>[vector<16xi32>], vector<16xf32>,
      %add3A_916 = arith.addi %mul3A_18, %broadcast_in_dim3A_913 : vector<16xi32>
      %gather3A_917 = tpu.vector_load_idx %arg8[%add3A_916] : memref<1280xf32, #tpu.memory_space<vmem>>[vector<16xi32>], vector<16xf32>,
      %mul3A_918 = arith.mulf %gather3A_915, %gather3A_917 : vector<16xf32>
      %add3A_919 = arith.addf %add3A_911, %mul3A_918 : vector<16xf32>
      %broadcast_in_dim3A_920 = arith.constant 112 : i32
      %broadcast_in_dim3A_921 = vector.broadcast %broadcast_in_dim3A_920 : i32 to vector<16xi32>
      %add3A_922 = arith.addi %add3A_22, %broadcast_in_dim3A_921 : vector<16xi32>
      %gather3A_923 = tpu.vector_load_idx %arg7[%add3A_922] : memref<65536xf32, #tpu.memory_space<vmem>>[vector<16xi32>], vector<16xf32>,
      %add3A_924 = arith.addi %mul3A_18, %broadcast_in_dim3A_921 : vector<16xi32>
      %gather3A_925 = tpu.vector_load_idx %arg8[%add3A_924] : memref<1280xf32, #tpu.memory_space<vmem>>[vector<16xi32>], vector<16xf32>,
      %mul3A_926 = arith.mulf %gather3A_923, %gather3A_925 : vector<16xf32>
      %add3A_927 = arith.addf %add3A_919, %mul3A_926 : vector<16xf32>
      %broadcast_in_dim3A_928 = arith.constant 113 : i32
      %broadcast_in_dim3A_929 = vector.broadcast %broadcast_in_dim3A_928 : i32 to vector<16xi32>
      %add3A_930 = arith.addi %add3A_22, %broadcast_in_dim3A_929 : vector<16xi32>
      %gather3A_931 = tpu.vector_load_idx %arg7[%add3A_930] : memref<65536xf32, #tpu.memory_space<vmem>>[vector<16xi32>], vector<16xf32>,
      %add3A_932 = arith.addi %mul3A_18, %broadcast_in_dim3A_929 : vector<16xi32>
      %gather3A_933 = tpu.vector_load_idx %arg8[%add3A_932] : memref<1280xf32, #tpu.memory_space<vmem>>[vector<16xi32>], vector<16xf32>,
      %mul3A_934 = arith.mulf %gather3A_931, %gather3A_933 : vector<16xf32>
      %add3A_935 = arith.addf %add3A_927, %mul3A_934 : vector<16xf32>
      %broadcast_in_dim3A_936 = arith.constant 114 : i32
      %broadcast_in_dim3A_937 = vector.broadcast %broadcast_in_dim3A_936 : i32 to vector<16xi32>
      %add3A_938 = arith.addi %add3A_22, %broadcast_in_dim3A_937 : vector<16xi32>
      %gather3A_939 = tpu.vector_load_idx %arg7[%add3A_938] : memref<65536xf32, #tpu.memory_space<vmem>>[vector<16xi32>], vector<16xf32>,
      %add3A_940 = arith.addi %mul3A_18, %broadcast_in_dim3A_937 : vector<16xi32>
      %gather3A_941 = tpu.vector_load_idx %arg8[%add3A_940] : memref<1280xf32, #tpu.memory_space<vmem>>[vector<16xi32>], vector<16xf32>,
      %mul3A_942 = arith.mulf %gather3A_939, %gather3A_941 : vector<16xf32>
      %add3A_943 = arith.addf %add3A_935, %mul3A_942 : vector<16xf32>
      %broadcast_in_dim3A_944 = arith.constant 115 : i32
      %broadcast_in_dim3A_945 = vector.broadcast %broadcast_in_dim3A_944 : i32 to vector<16xi32>
      %add3A_946 = arith.addi %add3A_22, %broadcast_in_dim3A_945 : vector<16xi32>
      %gather3A_947 = tpu.vector_load_idx %arg7[%add3A_946] : memref<65536xf32, #tpu.memory_space<vmem>>[vector<16xi32>], vector<16xf32>,
      %add3A_948 = arith.addi %mul3A_18, %broadcast_in_dim3A_945 : vector<16xi32>
      %gather3A_949 = tpu.vector_load_idx %arg8[%add3A_948] : memref<1280xf32, #tpu.memory_space<vmem>>[vector<16xi32>], vector<16xf32>,
      %mul3A_950 = arith.mulf %gather3A_947, %gather3A_949 : vector<16xf32>
      %add3A_951 = arith.addf %add3A_943, %mul3A_950 : vector<16xf32>
      %broadcast_in_dim3A_952 = arith.constant 116 : i32
      %broadcast_in_dim3A_953 = vector.broadcast %broadcast_in_dim3A_952 : i32 to vector<16xi32>
      %add3A_954 = arith.addi %add3A_22, %broadcast_in_dim3A_953 : vector<16xi32>
      %gather3A_955 = tpu.vector_load_idx %arg7[%add3A_954] : memref<65536xf32, #tpu.memory_space<vmem>>[vector<16xi32>], vector<16xf32>,
      %add3A_956 = arith.addi %mul3A_18, %broadcast_in_dim3A_953 : vector<16xi32>
      %gather3A_957 = tpu.vector_load_idx %arg8[%add3A_956] : memref<1280xf32, #tpu.memory_space<vmem>>[vector<16xi32>], vector<16xf32>,
      %mul3A_958 = arith.mulf %gather3A_955, %gather3A_957 : vector<16xf32>
      %add3A_959 = arith.addf %add3A_951, %mul3A_958 : vector<16xf32>
      %broadcast_in_dim3A_960 = arith.constant 117 : i32
      %broadcast_in_dim3A_961 = vector.broadcast %broadcast_in_dim3A_960 : i32 to vector<16xi32>
      %add3A_962 = arith.addi %add3A_22, %broadcast_in_dim3A_961 : vector<16xi32>
      %gather3A_963 = tpu.vector_load_idx %arg7[%add3A_962] : memref<65536xf32, #tpu.memory_space<vmem>>[vector<16xi32>], vector<16xf32>,
      %add3A_964 = arith.addi %mul3A_18, %broadcast_in_dim3A_961 : vector<16xi32>
      %gather3A_965 = tpu.vector_load_idx %arg8[%add3A_964] : memref<1280xf32, #tpu.memory_space<vmem>>[vector<16xi32>], vector<16xf32>,
      %mul3A_966 = arith.mulf %gather3A_963, %gather3A_965 : vector<16xf32>
      %add3A_967 = arith.addf %add3A_959, %mul3A_966 : vector<16xf32>
      %broadcast_in_dim3A_968 = arith.constant 118 : i32
      %broadcast_in_dim3A_969 = vector.broadcast %broadcast_in_dim3A_968 : i32 to vector<16xi32>
      %add3A_970 = arith.addi %add3A_22, %broadcast_in_dim3A_969 : vector<16xi32>
      %gather3A_971 = tpu.vector_load_idx %arg7[%add3A_970] : memref<65536xf32, #tpu.memory_space<vmem>>[vector<16xi32>], vector<16xf32>,
      %add3A_972 = arith.addi %mul3A_18, %broadcast_in_dim3A_969 : vector<16xi32>
      %gather3A_973 = tpu.vector_load_idx %arg8[%add3A_972] : memref<1280xf32, #tpu.memory_space<vmem>>[vector<16xi32>], vector<16xf32>,
      %mul3A_974 = arith.mulf %gather3A_971, %gather3A_973 : vector<16xf32>
      %add3A_975 = arith.addf %add3A_967, %mul3A_974 : vector<16xf32>
      %broadcast_in_dim3A_976 = arith.constant 119 : i32
      %broadcast_in_dim3A_977 = vector.broadcast %broadcast_in_dim3A_976 : i32 to vector<16xi32>
      %add3A_978 = arith.addi %add3A_22, %broadcast_in_dim3A_977 : vector<16xi32>
      %gather3A_979 = tpu.vector_load_idx %arg7[%add3A_978] : memref<65536xf32, #tpu.memory_space<vmem>>[vector<16xi32>], vector<16xf32>,
      %add3A_980 = arith.addi %mul3A_18, %broadcast_in_dim3A_977 : vector<16xi32>
      %gather3A_981 = tpu.vector_load_idx %arg8[%add3A_980] : memref<1280xf32, #tpu.memory_space<vmem>>[vector<16xi32>], vector<16xf32>,
      %mul3A_982 = arith.mulf %gather3A_979, %gather3A_981 : vector<16xf32>
      %add3A_983 = arith.addf %add3A_975, %mul3A_982 : vector<16xf32>
      %broadcast_in_dim3A_984 = arith.constant 120 : i32
      %broadcast_in_dim3A_985 = vector.broadcast %broadcast_in_dim3A_984 : i32 to vector<16xi32>
      %add3A_986 = arith.addi %add3A_22, %broadcast_in_dim3A_985 : vector<16xi32>
      %gather3A_987 = tpu.vector_load_idx %arg7[%add3A_986] : memref<65536xf32, #tpu.memory_space<vmem>>[vector<16xi32>], vector<16xf32>,
      %add3A_988 = arith.addi %mul3A_18, %broadcast_in_dim3A_985 : vector<16xi32>
      %gather3A_989 = tpu.vector_load_idx %arg8[%add3A_988] : memref<1280xf32, #tpu.memory_space<vmem>>[vector<16xi32>], vector<16xf32>,
      %mul3A_990 = arith.mulf %gather3A_987, %gather3A_989 : vector<16xf32>
      %add3A_991 = arith.addf %add3A_983, %mul3A_990 : vector<16xf32>
      %broadcast_in_dim3A_992 = arith.constant 121 : i32
      %broadcast_in_dim3A_993 = vector.broadcast %broadcast_in_dim3A_992 : i32 to vector<16xi32>
      %add3A_994 = arith.addi %add3A_22, %broadcast_in_dim3A_993 : vector<16xi32>
      %gather3A_995 = tpu.vector_load_idx %arg7[%add3A_994] : memref<65536xf32, #tpu.memory_space<vmem>>[vector<16xi32>], vector<16xf32>,
      %add3A_996 = arith.addi %mul3A_18, %broadcast_in_dim3A_993 : vector<16xi32>
      %gather3A_997 = tpu.vector_load_idx %arg8[%add3A_996] : memref<1280xf32, #tpu.memory_space<vmem>>[vector<16xi32>], vector<16xf32>,
      %mul3A_998 = arith.mulf %gather3A_995, %gather3A_997 : vector<16xf32>
      %add3A_999 = arith.addf %add3A_991, %mul3A_998 : vector<16xf32>
      %broadcast_in_dim3A_1000 = arith.constant 122 : i32
      %broadcast_in_dim3A_1001 = vector.broadcast %broadcast_in_dim3A_1000 : i32 to vector<16xi32>
      %add3A_1002 = arith.addi %add3A_22, %broadcast_in_dim3A_1001 : vector<16xi32>
      %gather3A_1003 = tpu.vector_load_idx %arg7[%add3A_1002] : memref<65536xf32, #tpu.memory_space<vmem>>[vector<16xi32>], vector<16xf32>,
      %add3A_1004 = arith.addi %mul3A_18, %broadcast_in_dim3A_1001 : vector<16xi32>
      %gather3A_1005 = tpu.vector_load_idx %arg8[%add3A_1004] : memref<1280xf32, #tpu.memory_space<vmem>>[vector<16xi32>], vector<16xf32>,
      %mul3A_1006 = arith.mulf %gather3A_1003, %gather3A_1005 : vector<16xf32>
      %add3A_1007 = arith.addf %add3A_999, %mul3A_1006 : vector<16xf32>
      %broadcast_in_dim3A_1008 = arith.constant 123 : i32
      %broadcast_in_dim3A_1009 = vector.broadcast %broadcast_in_dim3A_1008 : i32 to vector<16xi32>
      %add3A_1010 = arith.addi %add3A_22, %broadcast_in_dim3A_1009 : vector<16xi32>
      %gather3A_1011 = tpu.vector_load_idx %arg7[%add3A_1010] : memref<65536xf32, #tpu.memory_space<vmem>>[vector<16xi32>], vector<16xf32>,
      %add3A_1012 = arith.addi %mul3A_18, %broadcast_in_dim3A_1009 : vector<16xi32>
      %gather3A_1013 = tpu.vector_load_idx %arg8[%add3A_1012] : memref<1280xf32, #tpu.memory_space<vmem>>[vector<16xi32>], vector<16xf32>,
      %mul3A_1014 = arith.mulf %gather3A_1011, %gather3A_1013 : vector<16xf32>
      %add3A_1015 = arith.addf %add3A_1007, %mul3A_1014 : vector<16xf32>
      %broadcast_in_dim3A_1016 = arith.constant 124 : i32
      %broadcast_in_dim3A_1017 = vector.broadcast %broadcast_in_dim3A_1016 : i32 to vector<16xi32>
      %add3A_1018 = arith.addi %add3A_22, %broadcast_in_dim3A_1017 : vector<16xi32>
      %gather3A_1019 = tpu.vector_load_idx %arg7[%add3A_1018] : memref<65536xf32, #tpu.memory_space<vmem>>[vector<16xi32>], vector<16xf32>,
      %add3A_1020 = arith.addi %mul3A_18, %broadcast_in_dim3A_1017 : vector<16xi32>
      %gather3A_1021 = tpu.vector_load_idx %arg8[%add3A_1020] : memref<1280xf32, #tpu.memory_space<vmem>>[vector<16xi32>], vector<16xf32>,
      %mul3A_1022 = arith.mulf %gather3A_1019, %gather3A_1021 : vector<16xf32>
      %add3A_1023 = arith.addf %add3A_1015, %mul3A_1022 : vector<16xf32>
      %broadcast_in_dim3A_1024 = arith.constant 125 : i32
      %broadcast_in_dim3A_1025 = vector.broadcast %broadcast_in_dim3A_1024 : i32 to vector<16xi32>
      %add3A_1026 = arith.addi %add3A_22, %broadcast_in_dim3A_1025 : vector<16xi32>
      %gather3A_1027 = tpu.vector_load_idx %arg7[%add3A_1026] : memref<65536xf32, #tpu.memory_space<vmem>>[vector<16xi32>], vector<16xf32>,
      %add3A_1028 = arith.addi %mul3A_18, %broadcast_in_dim3A_1025 : vector<16xi32>
      %gather3A_1029 = tpu.vector_load_idx %arg8[%add3A_1028] : memref<1280xf32, #tpu.memory_space<vmem>>[vector<16xi32>], vector<16xf32>,
      %mul3A_1030 = arith.mulf %gather3A_1027, %gather3A_1029 : vector<16xf32>
      %add3A_1031 = arith.addf %add3A_1023, %mul3A_1030 : vector<16xf32>
      %broadcast_in_dim3A_1032 = arith.constant 126 : i32
      %broadcast_in_dim3A_1033 = vector.broadcast %broadcast_in_dim3A_1032 : i32 to vector<16xi32>
      %add3A_1034 = arith.addi %add3A_22, %broadcast_in_dim3A_1033 : vector<16xi32>
      %gather3A_1035 = tpu.vector_load_idx %arg7[%add3A_1034] : memref<65536xf32, #tpu.memory_space<vmem>>[vector<16xi32>], vector<16xf32>,
      %add3A_1036 = arith.addi %mul3A_18, %broadcast_in_dim3A_1033 : vector<16xi32>
      %gather3A_1037 = tpu.vector_load_idx %arg8[%add3A_1036] : memref<1280xf32, #tpu.memory_space<vmem>>[vector<16xi32>], vector<16xf32>,
      %mul3A_1038 = arith.mulf %gather3A_1035, %gather3A_1037 : vector<16xf32>
      %add3A_1039 = arith.addf %add3A_1031, %mul3A_1038 : vector<16xf32>
      %broadcast_in_dim3A_1040 = arith.constant 127 : i32
      %broadcast_in_dim3A_1041 = vector.broadcast %broadcast_in_dim3A_1040 : i32 to vector<16xi32>
      %add3A_1042 = arith.addi %add3A_22, %broadcast_in_dim3A_1041 : vector<16xi32>
      %gather3A_1043 = tpu.vector_load_idx %arg7[%add3A_1042] : memref<65536xf32, #tpu.memory_space<vmem>>[vector<16xi32>], vector<16xf32>,
      %add3A_1044 = arith.addi %mul3A_18, %broadcast_in_dim3A_1041 : vector<16xi32>
      %gather3A_1045 = tpu.vector_load_idx %arg8[%add3A_1044] : memref<1280xf32, #tpu.memory_space<vmem>>[vector<16xi32>], vector<16xf32>,
      %mul3A_1046 = arith.mulf %gather3A_1043, %gather3A_1045 : vector<16xf32>
      %add3A_1047 = arith.addf %add3A_1039, %mul3A_1046 : vector<16xf32>
      %gather3A_1048 = tpu.vector_load_idx %arg9[%div3A] : memref<10xf32, #tpu.memory_space<vmem>>[vector<16xi32>], vector<16xf32>,
      %add3A_1049 = arith.addf %add3A_1047, %gather3A_1048 : vector<16xf32>
      %mul3A_1050 = arith.constant 16 : i32
      %mul3A_1051 = arith.muli %scan3A_14, %mul3A_1050 : i32
      %swap3A = arith.index_cast %mul3A_1051 : i32 to index
      %swap3A_1052 = tpu.vector_load %arg11[%swap3A] {strides = array<i32>} : memref<512xf32, #tpu.memory_space<vmem>>, vector<16xf32>,
      tpu.vector_store %arg11[%swap3A], %add3A_1049 {strides = array<i32>} : memref<512xf32, #tpu.memory_space<vmem>>, vector<16xf32>,
    }
    %scan3A_13 = arith.constant 32 : i32
    "tpu.region"() ({
      %run_scoped3A = tpu.sem_alloc : memref<!tpu.dma_semaphore, #tpu.memory_space<semaphore_mem>>
      %dma_start3A = tpu.memref_slice %arg6[%mul3A_2] : memref<16384xf32, #tpu.memory_space<hbm>> -> memref<512xf32, #tpu.memory_space<hbm>>
      %dma_start3A_14 = tpu.memref_slice %arg6[%mul3A_2] : memref<16384xf32, #tpu.memory_space<hbm>> -> memref<512xf32, #tpu.memory_space<hbm>>
      tpu.enqueue_dma source(%arg11 : memref<512xf32, #tpu.memory_space<vmem>>) target(%dma_start3A_14 : memref<512xf32, #tpu.memory_space<hbm>>) target_semaphore(%run_scoped3A : memref<!tpu.dma_semaphore, #tpu.memory_space<semaphore_mem>>)
      %dma_wait3A = tpu.memref_slice %arg6[%mul3A_2] : memref<16384xf32, #tpu.memory_space<hbm>> -> memref<512xf32, #tpu.memory_space<hbm>>
      %dma_wait3A_15 = tpu.memref_slice %arg6[%mul3A_2] : memref<16384xf32, #tpu.memory_space<hbm>> -> memref<512xf32, #tpu.memory_space<hbm>>
      tpu.wait_dma2 semaphore(%run_scoped3A : memref<!tpu.dma_semaphore, #tpu.memory_space<semaphore_mem>>) src(%arg11 : memref<512xf32, #tpu.memory_space<vmem>>) dst(%dma_wait3A_15 : memref<512xf32, #tpu.memory_space<hbm>>)
      tpu.yield
    }) : () -> ()
    return
  }
}

</mosaic_0001>

<sc_bundles>
// kernel: kernel.3.cloned.1.call-start
scs
__scs_entry_jumppad:
0x0: {  	(pc) =	sbr.rel $0x88, $3  }
0x1: {  	(tag) =	ssettag $0x0;
	lr =	simm.s32 $0x1  }
0x2: {  	[smem:$0x3F9D] =	sst lr;
	_ =	strace $0xD0000000  }
0x3: {  	_ = 	snop  }
0x4: {  	_ = 	snop  }
0x5: {  	_ = 	snop  }
0x6: {  	_ = 	snop  }
0x7: {  	_ = 	snop  }
__scs_overlays_trampoline_lowered:
0x8: {  	[smem:$0x3FAC] =	sst s0  }
0x9: {  	[smem:$0x3FAD] =	sst s1  }
0xa: {  	[smem:$0x3FAE] =	sst s2  }
0xb: {  	[smem:$0x3FAF] =	sst s3  }
0xc: {  	[smem:$0x3FB0] =	sst s4  }
0xd: {  	[smem:$0x3FB1] =	sst s5  }
0xe: {  	[smem:$0x3FB2] =	sst s6  }
0xf: {  	[smem:$0x3FB3] =	sst s7  }
0x10: {  	[smem:$0x3FB4] =	sst s8  }
0x11: {  	[smem:$0x3FB5] =	sst s9;
	s0 =	simm.s32 @!p0 $0x0  }
0x12: {  	s1 =	sld [smem:$0x3F9B];
	s0 =	simm.s32 @p0 $0x1  }
0x13: {  	[smem:$0x3FB6] =	sst s0;
	s0 =	simm.s32 @!p1 $0x0  }
0x14: {  	s2 =	sld [smem:$0x3F9A];
	s0 =	simm.s32 @p1 $0x1  }
0x15: {  	[smem:$0x3FB7] =	sst s0;
	s0 =	simm.s32 @!p2 $0x0  }
0x16: {  	s3 =	sld [smem:$0x3FDB];
	s0 =	simm.s32 @p2 $0x1  }
0x17: {  	s4 =	simm.s32 $0x1BF5;
	[smem:$0x3FB9] =	sst s0  }
0x18: {  	s0 =	sld [smem:$0x3F9C];
	_ =	swait.ge [sflag:s4], $0x0  }
0x19: {  	s7 =	sld [smem:$0x3F9D]  }
0x1a: {  	s8 =	sadd.s32 $0xFFFFE003, lr  }
0x1b: {  	s9 =	sadd.s32 $0xFFFFFEF7, lr;
	s5 =	simm.s32 $0xFFFFFFFF;
	p2 =	slt.u32 s8, $0xFFFFF086  }
0x1c: {  	p1 =	slt.u32 s9, $0xF7A;
	s5 =	simm.s32 @!p2 $0x0  }
0x1d: {  	s5 =	simm.s32 @p1 $0x1;
	p0 =	seq.s32 s7, s2  }
0x1e: {  	s7 =	smul.u32 @!p0 $0xF7A, s2;
	p2 =	seq.s32 @!p0 s5, $0x0  }
0x1f: {  	s9 =	smul.u32 $0xF7A, s1;
	s8 =	simm.s32 @!p0 $0x1BF5;
	p2 =	por !p2, p0  }
0x20: {  	[sflag:s8] =	ssyncset.s32 @!p0 $0xFFFFF086;
	s6 =	sadd.s32 @!p0 s3, s7;
	s7 =	simm.s32 @!p0 $0x108  }
0x21: {  	s3 =	sadd.s32 s3, s9;
	s6 =	sadd.s32 @!p0 $0x88, s6;
	s7 =	simm.s32 @p2 $0x1082  }
0x22: {  	[simem:s7], [sflag:s8] =	dma.local @!p0 [hbm:s6], $0xF7A  }
0x23: {  	s9 =	sor.u32 $0xD0000000, s2;
	s6 =	simm.s32 $0x108;
	_ =	swait.ge @!p0 [sflag:s8], $0x0  }
0x24: {  	s3 =	sadd.s32 $0x88, s3;
	s6 =	simm.s32 @!p1 $0x1082;
	[sflag:s4] =	ssyncset.s32 $0xFFFFF086  }
0x25: {  	[simem:s6], [sflag:s4] =	dma.local [hbm:s3], $0xF7A  }
0x26: {  	[smem:$0x3F9D] =	sst s1;
	(tag) =	ssettag s2;
	_ =	strace s9  }
0x27: {  	s1 =	sld [smem:$0x3FAD]  }
0x28: {  	s2 =	sld [smem:$0x3FAE]  }
0x29: {  	s4 =	sld [smem:$0x3FB0]  }
0x2a: {  	p0 =	seq.s32 s5, $0x0;
	s5 =	sld [smem:$0x3FB1]  }
0x2b: {  	s6 =	sld [smem:$0x3FB2]  }
0x2c: {  	s7 =	sld [smem:$0x3FB3]  }
0x2d: {  	s3 =	simm.s32 $0x108;
	s8 =	sld [smem:$0x3FB4]  }
0x2e: {  	s3 =	simm.s32 @!p0 $0x1082;
	s9 =	sld [smem:$0x3FB5]  }
0x2f: {  	lr =	sadd.s32 s0, s3;
	s0 =	sld [smem:$0x3FAC]  }
0x30: {  	s3 =	sld [smem:$0x3FAF]  }
0x31: {  	[smem:$0x3FB8] =	sst s10  }
0x32: {  	s10 =	sld [smem:$0x3FB6];
	_ =	sdelay $0x3  }
0x33: {  	p0 =	seq.s32 s10, $0x1;
	s10 =	sld [smem:$0x3FB8];
	_ =	sdelay $0x3  }
0x34: {  	[smem:$0x3FB8] =	sst s10  }
0x35: {  	s10 =	sld [smem:$0x3FB7];
	_ =	sdelay $0x3  }
0x36: {  	p1 =	seq.s32 s10, $0x1;
	s10 =	sld [smem:$0x3FB8];
	_ =	sdelay $0x3  }
0x37: {  	[smem:$0x3FB8] =	sst s10  }
0x38: {  	s10 =	sld [smem:$0x3FB9]  }
0x39: {  	_ = 	snop;
	(pc) =	sbr.ind lr, $3  }
0x3a: {  	_ = 	snop  }
0x3b: {  	_ = 	snop  }
0x3c: {  	p2 =	seq.s32 s10, $0x1;
	s10 =	sld [smem:$0x3FB8]  }
0x3d: {  	_ =	shalt  }
0x3e: {  	_ =	shalt  }
0x3f: {  	_ =	shalt  }
0x40: {  	_ =	shalt  }
0x41: {  	_ =	shalt  }
0x42: {  	_ =	shalt  }
0x43: {  	_ =	shalt  }
0x44: {  	_ =	shalt  }
0x45: {  	_ =	shalt  }
0x46: {  	_ =	shalt  }
0x47: {  	_ =	shalt  }
0x48: {  	_ =	shalt  }
0x49: {  	_ =	shalt  }
0x4a: {  	_ =	shalt  }
0x4b: {  	_ =	shalt  }
0x4c: {  	_ =	shalt  }
0x4d: {  	_ =	shalt  }
0x4e: {  	_ =	shalt  }
0x4f: {  	_ =	shalt  }
0x50: {  	_ =	shalt  }
0x51: {  	_ =	shalt  }
0x52: {  	_ =	shalt  }
0x53: {  	_ =	shalt  }
0x54: {  	_ =	shalt  }
0x55: {  	_ =	shalt  }
0x56: {  	_ =	shalt  }
0x57: {  	_ =	shalt  }
0x58: {  	_ =	shalt  }
0x59: {  	_ =	shalt  }
0x5a: {  	_ =	shalt  }
0x5b: {  	_ =	shalt  }
0x5c: {  	_ =	shalt  }
0x5d: {  	_ =	shalt  }
0x5e: {  	_ =	shalt  }
0x5f: {  	_ =	shalt  }
0x60: {  	_ =	shalt  }
0x61: {  	_ =	shalt  }
0x62: {  	_ =	shalt  }
0x63: {  	_ =	shalt  }
0x64: {  	_ =	shalt  }
0x65: {  	_ =	shalt  }
0x66: {  	_ =	shalt  }
0x67: {  	_ =	shalt  }
0x68: {  	_ =	shalt  }
0x69: {  	_ =	shalt  }
0x6a: {  	_ =	shalt  }
0x6b: {  	_ =	shalt  }
0x6c: {  	_ =	shalt  }
0x6d: {  	_ =	shalt  }
0x6e: {  	_ =	shalt  }
0x6f: {  	_ =	shalt  }
0x70: {  	_ =	shalt  }
0x71: {  	_ =	shalt  }
0x72: {  	_ =	shalt  }
0x73: {  	_ =	shalt  }
0x74: {  	_ =	shalt  }
0x75: {  	_ =	shalt  }
0x76: {  	_ =	shalt  }
0x77: {  	_ =	shalt  }
0x78: {  	_ =	shalt  }
0x79: {  	_ =	shalt  }
0x7a: {  	_ =	shalt  }
0x7b: {  	_ =	shalt  }
0x7c: {  	_ =	shalt  }
0x7d: {  	_ =	shalt  }
0x7e: {  	_ =	shalt  }
0x7f: {  	_ =	shalt  }
0x80: {  	_ =	shalt  }
0x81: {  	_ =	shalt  }
0x82: {  	_ =	shalt  }
0x83: {  	_ =	shalt  }
0x84: {  	_ =	shalt  }
0x85: {  	_ =	shalt  }
0x86: {  	_ =	shalt  }
0x87: {  	_ =	shalt  }
.Lfunc_end0:
.L_simem_size_0:
called_computation_lowered:
.L_overlay_start_0:
0x88: {  	s2 =	sld [smem:$0x3FD9]  }
0x89: {  	s3 =	sld [smem:$0x3FFE];
	_ =	sdelay $0x1  }
0x8a: {  	s1 =	srdreg.scid  }
0x8b: {  	s0 =	sand.u32 $0x1, s1  }
0x8c: {  	s18 =	sshll.u32 s0, $0xA;
	s2 =	sadd.s32 s3, s2  }
0x8d: {  	s2 =	sadd.s32 s2, s18  }
0x8e: {  	[smem:$0x3FC4] =	sst s2  }
0x8f: {  	_ = 	snop  }
0x90: {  	s2 =	sld [smem:$0x3FC9]  }
0x91: {  	s19 =	sld [smem:$0x3FC8]  }
0x92: {  	s4 =	sld [smem:$0x3FC7]  }
0x93: {  	s5 =	sld [smem:$0x3FC6]  }
0x94: {  	s6 =	sld [smem:$0x3FD0];
	(tm) =	ssettm $0x1  }
0x95: {  	s7 =	sld [smem:$0x3FFB];
	_ =	sdelay $0x3  }
0x96: {  	_ =	strace s7  }
0x97: {  	s7 =	sld [smem:$0x3FFC];
	_ =	sdelay $0x3  }
0x98: {  	_ =	strace s7  }
0x99: {  	s7 =	sld [smem:$0x3FFD];
	_ =	sdelay $0x3  }
0x9a: {  	_ =	strace s7  }
0x9b: {  	_ =	strace $0x8FFFFFFF  }
0x9c: {  	s20 =	sld [smem:$0x3FDB];
	_ =	sdelay $0x1  }
0x9d: {  	s8 =	simm.s32 $_scs_section_size  }
0x9e: {  	s9 =	simm.s32 $_size__tile_overlayer_lowered;
	s10 =	simm.s32 $_tile_overlayer_lowered  }
0x9f: {  	s23 =	simm.s32 $0x1BFF;
	s22 =	sshll.u32 s10, $0x1;
	s7 =	sadd.s32 s8, s20  }
0xa0: {  	s11 =	simm.s32 $0x0;
	s21 =	sshll.u32 s9, $0x1;
	s9 =	sadd.s32 s22, s7  }
0xa1: {  	[timem:s11], [sflag:s23] =	dma.local [hbm:s9], s21  }
0xa2: {  	_ =	swait.ge [sflag:s23], s21  }
0xa3: {  	s8 =	ssub.s32 $0x0, s21;
	[sflag:s23] =	ssyncset.done $0x0  }
0xa4: {  	[sflag:s23] =	ssyncadd.s32 s8;
	_ =	sdelay $0x1  }
0xa5: {  	s24 =	simm.s32 $0x1B8B  }
0xa6: {  	_ =	swait.ge [sflag:s24], $0x1  }
0xa7: {  	[sflag:s24] =	ssyncset.done $0x0  }
0xa8: {  	s25 =	simm.s32 $0x1B8E;
	[sflag:s24] =	ssyncadd.s32 $0xFFFFFFFF  }
0xa9: {  	s26 =	simm.s32 $execute0_lowered;
	[smem:$0x3FD2] =	sst s25  }
0xaa: {  	s8 =	sshll.u32 s26, $0x1;
	_ =	strace $0x80000046;
	[dreg:$0x1] =	wrdreg $0xFFFFFFFF  }
0xab: {  	s28 =	simm.s32 $_size_execute0_lowered;
	s7 =	sadd.s32 s7, s8;
	[dreg:$0x0] =	wrdreg $0x0  }
0xac: {  	s8 =	sshll.u32 s28, $0x1;
	[dreg:$0x2] =	wrdreg s7  }
0xad: {  	[dreg:$0x3] =	wrdreg s8  }
0xae: {  	[dreg:$0x4] =	wrdreg $0xC0  }
0xaf: {  	_ =	task [dreg:s11], $0x5FFFF  }
0xb0: {  	[dreg:$0x1] =	wrdreg $0xFFFFFFFF  }
0xb1: {  	[dreg:$0x0] =	wrdreg $0x60  }
0xb2: {  	[dreg:$0x2] =	wrdreg s2  }
0xb3: {  	[dreg:$0x3] =	wrdreg s19  }
0xb4: {  	[dreg:$0x4] =	wrdreg s4  }
0xb5: {  	[dreg:$0x5] =	wrdreg s5  }
0xb6: {  	[dreg:$0x6] =	wrdreg s6  }
0xb7: {  	[dreg:$0x7] =	wrdreg $0x9  }
0xb8: {  	_ =	task.clear_ibuf [dreg:s11], $0x8FFFF;
	_ =	strace $0x90000046  }
0xb9: {  	s29 =	simm.s32 $0x9;
	_ =	strace $0x80000048  }
0xba: {  	_ =	swait.ge [sflag:s29], $0x1  }
0xbb: {  	[sflag:s29] =	ssyncadd.s32 $0xFFFFFFFF  }
0xbc: {  	_ =	strace $0x90000048  }
0xbd: {  	_ =	sfence  }
0xbe: {  	s30 =	sld [smem:$0x0];
	_ =	sdelay $0x2  }
0xbf: {  	s31 =	sshll.u32 s1, $0xD;
	s1 =	sshrl.u32 s1, $0x2  }
0xc0: {  	s3 =	sand.u32 $0x4000, s31;
	s1 =	sadd.s32 s1, s30  }
0xc1: {  	s0 =	sor.u32 s3, s0;
	s1 =	sshll.u32 s1, $0x11  }
0xc2: {  	s0 =	sor.u32 s1, s0  }
0xc3: {  	s0 =	sadd.s32 $0x8F2B, s0  }
0xc4: {  	[sflag:s0] =	ssyncadd.remote.s32 $0x1  }
0xc5: {  	_ =	sfence.sel $0xFFFF  }
0xc6: {  	[dreg:$0x0] =	wrdreg $0xFFFFFFFF;
	(pc) =	sbr.abs _section_cstart, $3  }
0xc7: {  	[dreg:$0x1] =	wrdreg $0xFFFFFFFF  }
0xc8: {  	_ =	task.clear_ibuf [dreg:s11], $0x2FFFF;
	_ =	strace $0x9FFFFFFF  }
0xc9: {  	(tm) =	ssettm $0x7FFFFFFF  }
tec
execute0_lowered:
.L_overlay_start_1:
0x0: {  	(tag) =	ssettag $0x1  }
0x1: {  	v2 =	vlaneseq.u32  }
0x2: {  	v1 =	vmul.u32 $0x80, v2;
	_ =	sdelay $0x1  }
0x3: {  	v3 =	vor.u32 $0x8, v1  }
0x4: {  	[tilespmem:$0x1FCB0] =	vst v3;
	v3 =	vor.u32 $0x9, v1  }
0x5: {  	[tilespmem:$0x1FCC0] =	vst v3;
	v3 =	vor.u32 $0xA, v1  }
0x6: {  	[tilespmem:$0x1FCD0] =	vst v3;
	v3 =	vor.u32 $0xB, v1  }
0x7: {  	[tilespmem:$0x1FCE0] =	vst v3;
	v3 =	vor.u32 $0xC, v1  }
0x8: {  	[tilespmem:$0x1FCF0] =	vst v3;
	v3 =	vor.u32 $0xD, v1  }
0x9: {  	[tilespmem:$0x1FD00] =	vst v3;
	v3 =	vor.u32 $0xE, v1  }
0xa: {  	[tilespmem:$0x1FD10] =	vst v3;
	v3 =	vor.u32 $0xF, v1  }
0xb: {  	[tilespmem:$0x1FD20] =	vst v3;
	v3 =	vor.u32 $0x10, v1  }
0xc: {  	[tilespmem:$0x1FD30] =	vst v3;
	v3 =	vor.u32 $0x11, v1  }
0xd: {  	[tilespmem:$0x1FD40] =	vst v3;
	v3 =	vor.u32 $0x12, v1  }
0xe: {  	[tilespmem:$0x1FD50] =	vst v3;
	v3 =	vor.u32 $0x13, v1  }
0xf: {  	[tilespmem:$0x1FD60] =	vst v3;
	v3 =	vor.u32 $0x14, v1  }
0x10: {  	[tilespmem:$0x1FD70] =	vst v3;
	v3 =	vor.u32 $0x15, v1  }
0x11: {  	[tilespmem:$0x1FD80] =	vst v3;
	v3 =	vor.u32 $0x16, v1  }
0x12: {  	[tilespmem:$0x1FD90] =	vst v3;
	v3 =	vor.u32 $0x17, v1  }
0x13: {  	[tilespmem:$0x1FDA0] =	vst v3;
	v3 =	vor.u32 $0x18, v1  }
0x14: {  	[tilespmem:$0x1FDB0] =	vst v3;
	v3 =	vor.u32 $0x19, v1  }
0x15: {  	[tilespmem:$0x1FDC0] =	vst v3;
	v3 =	vor.u32 $0x1A, v1  }
0x16: {  	[tilespmem:$0x1FDD0] =	vst v3;
	v3 =	vor.u32 $0x1B, v1  }
0x17: {  	[tilespmem:$0x1FDE0] =	vst v3;
	v3 =	vor.u32 $0x1C, v1  }
0x18: {  	[tilespmem:$0x1FDF0] =	vst v3;
	v3 =	vor.u32 $0x1D, v1  }
0x19: {  	[tilespmem:$0x1FE00] =	vst v3;
	v3 =	vor.u32 $0x1E, v1  }
0x1a: {  	[tilespmem:$0x1FE10] =	vst v3;
	v3 =	vor.u32 $0x1F, v1  }
0x1b: {  	[tilespmem:$0x1FE20] =	vst v3;
	v3 =	vor.u32 $0x20, v1  }
0x1c: {  	[tilespmem:$0x1FE30] =	vst v3;
	v3 =	vor.u32 $0x21, v1  }
0x1d: {  	[tilespmem:$0x1FE40] =	vst v3;
	v3 =	vor.u32 $0x22, v1  }
0x1e: {  	[tilespmem:$0x1FE50] =	vst v3;
	v3 =	vor.u32 $0x23, v1  }
0x1f: {  	[tilespmem:$0x1FE60] =	vst v3;
	v3 =	vor.u32 $0x24, v1  }
0x20: {  	[tilespmem:$0x1FE70] =	vst v3;
	v3 =	vor.u32 $0x25, v1  }
0x21: {  	[tilespmem:$0x1FE80] =	vst v3;
	v3 =	vor.u32 $0x26, v1  }
0x22: {  	[tilespmem:$0x1FE90] =	vst v3;
	v3 =	vor.u32 $0x27, v1  }
0x23: {  	[tilespmem:$0x1FEA0] =	vst v3;
	v3 =	vor.u32 $0x28, v1  }
0x24: {  	[tilespmem:$0x1FEB0] =	vst v3;
	v3 =	vor.u32 $0x29, v1  }
0x25: {  	[tilespmem:$0x1FEC0] =	vst v3;
	v3 =	vor.u32 $0x2A, v1  }
0x26: {  	[tilespmem:$0x1FED0] =	vst v3;
	v3 =	vor.u32 $0x2B, v1  }
0x27: {  	s5 =	rddreg [dreg:$0x0];
	[tilespmem:$0x1FEE0] =	vst v3;
	v3 =	vor.u32 $0x2C, v1  }
0x28: {  	s6 =	rddreg [dreg:$0x1];
	s4 =	simm.s32 $0x0;
	[tilespmem:$0x1FEF0] =	vst v3;
	v3 =	vor.u32 $0x2D, v1  }
0x29: {  	[smem:$0x7FF] =	sst s4;
	[tilespmem:$0x1FF00] =	vst v3;
	v3 =	vor.u32 $0x2E, v1  }
0x2a: {  	s7 =	rddreg [dreg:$0x4];
	_ =	strace $0x80000047;
	[tilespmem:$0x1FF10] =	vst v3;
	v3 =	vor.u32 $0x2F, v1  }
0x2b: {  	[tilespmem:$0x1FF20] =	vst v3;
	v3 =	vor.u32 $0x30, v1  }
0x2c: {  	[tilespmem:$0x1FF30] =	vst v3;
	v3 =	vor.u32 $0x31, v1  }
0x2d: {  	[tilespmem:$0x1FF40] =	vst v3;
	v3 =	vor.u32 $0x32, v1  }
0x2e: {  	[tilespmem:$0x1FF50] =	vst v3;
	v3 =	vor.u32 $0x33, v1  }
0x2f: {  	v0 =	vimm.s32 $0xECA86420;
	[tilespmem:$0x1FF60] =	vst v3;
	v3 =	vor.u32 $0x34, v1  }
0x30: {  	vm0 =	vcmask $0xB08;
	vm1 =	vcmask $0x1310;
	[tilespmem:$0x1FF70] =	vst v3;
	v3 =	vor.u32 $0x35, v1  }
0x31: {  	vm2 =	vcmask $0x1B18;
	vm3 =	vcmask $0x300;
	[tilespmem:$0x1FF80] =	vst v3;
	v3 =	vor.u32 $0x36, v1  }
0x32: {  	vm4 =	vcmask $0x2320;
	vm5 =	vcmask $0x2B28;
	s8 =	srdreg.scid;
	s0 =	stileid.u32;
	[tilespmem:$0x1FF90] =	vst v3;
	v3 =	vor.u32 $0x37, v1  }
0x33: {  	vm6 =	vcmask $0x3330;
	v0 =	vunpack.c.l.s4.s8 v0;
	s8 =	sand.u32 $0x1, s8;
	s10 =	sshll.u32 s0, $0x1;
	[tilespmem:$0x1FFA0] =	vst v3;
	v3 =	vor.u32 $0x38, v1  }
0x34: {  	vm7 =	vcmask $0x3B38;
	vm8 =	vmmov $0xff;
	s9 =	ssub.s32 $0x2, s8;
	s8 =	sor.u32 s8, s10;
	[tilespmem:$0x1FFB0] =	vst v3;
	v3 =	vor.u32 $0x39, v1  }
0x35: {  	s13 =	simm.s32 $0x0;
	v2 =	vmul.u32 $0x2, v2;
	v0 =	vunpack.c.0.s8.s32 v0;
	s11 =	sshrl.u32 s9, $0x1;
	s10 =	sshll.u32 s8, $0xD;
	[tilespmem:$0x1FFC0] =	vst v3;
	v3 =	vor.u32 $0x3A, v1  }
0x36: {  	v17 =	vor.u32 $0x1, v1;
	v18 =	vor.u32 $0x2, v1;
	s8 =	sshll.u32 s8, $0x6;
	s9 =	ssub.s32 s9, s11;
	s5 =	sadd.s32 s5, s10;
	[tilespmem:$0x1FFD0] =	vst v3;
	v3 =	vor.u32 $0x3B, v1  }
0x37: {  	v19 =	vor.u32 $0x3, v1;
	v20 =	vor.u32 $0x4, v1;
	s6 =	sadd.s32 s6, s8;
	s7 =	sadd.s32 s7, s8;
	s10 =	simm.s32 $0x10000;
	[tilespmem:$0x1FFE0] =	vst v3;
	v3 =	vor.u32 $0x3C, v1  }
0x38: {  	v21 =	vor.u32 $0x5, v1;
	v22 =	vor.u32 $0x6, v1;
	v23 =	vor.u32 $0x7, v1;
	s11 =	simm.s32 $0x10500;
	s8 =	smax.u32 s9, $0x1;
	s9 =	simm.s32 $0x1;
	[tilespmem:$0x1FFF0] =	vst v3  }
.LBB2_1:
0x39: {  	[tilespmem:s4], [sflag:$0x1] =	stream.linear.gather [hbm4b:s5+s4], $0x10000, $0x38;
	[tilespmem:$0x10980] =	vst v63  }
0x3a: {  	_ =	swait.ge [sflag:s9], $0x10000  }
0x3b: {  	[sflag:s9] =	ssyncset.done $0x0  }
0x3c: {  	[sflag:s9] =	ssyncadd.s32 $0xFFFF0000  }
0x3d: {  	s0 =	rddreg [dreg:$0x2]  }
0x3e: {  	[tilespmem:s10], [sflag:$0x1] =	stream.linear.gather [hbm4b:s0+s4], $0x500, $0x38;
	[tilespmem:$0x10980] =	vst v63  }
0x3f: {  	_ =	swait.ge [sflag:s9], $0x500  }
0x40: {  	[sflag:s9] =	ssyncset.done $0x0  }
0x41: {  	[sflag:s9] =	ssyncadd.s32 $0xFFFFFB00  }
0x42: {  	s31 =	rddreg [dreg:$0x3]  }
0x43: {  	[tilespmem:s11], [sflag:$0x1] =	stream.linear.gather [hbm4b:s31+s4], $0x80, $0x38;
	[tilespmem:$0x10980] =	vst v63  }
0x44: {  	_ =	swait.ge [sflag:s9], $0x80  }
0x45: {  	[sflag:s9] =	ssyncset.done $0x0  }
0x46: {  	s14 =	simm.s32 $0x10580;
	[sflag:s9] =	ssyncadd.s32 $0xFFFFFF80  }
0x47: {  	[tilespmem:s14], [sflag:$0x1] =	stream.linear.gather [hbm4b:s6+s4], $0x200, $0x38;
	[tilespmem:$0x10980] =	vst v63  }
0x48: {  	_ =	swait.ge [sflag:s9], $0x200  }
0x49: {  	v38 =	vld [tilespmem:$0x1FD90]  }
0x4a: {  	v39 =	vld [tilespmem:$0x1FDA0]  }
0x4b: {  	v40 =	vld [tilespmem:$0x1FDB0]  }
0x4c: {  	v41 =	vld [tilespmem:$0x1FDC0]  }
0x4d: {  	v42 =	vld [tilespmem:$0x1FDD0]  }
0x4e: {  	v43 =	vld [tilespmem:$0x1FDE0]  }
0x4f: {  	v44 =	vld [tilespmem:$0x1FDF0]  }
0x50: {  	v45 =	vld [tilespmem:$0x1FE00]  }
0x51: {  	v46 =	vld [tilespmem:$0x1FE10]  }
0x52: {  	v47 =	vld [tilespmem:$0x1FE20]  }
0x53: {  	v48 =	vld [tilespmem:$0x1FE30]  }
0x54: {  	v49 =	vld [tilespmem:$0x1FE40]  }
0x55: {  	v50 =	vld [tilespmem:$0x1FE50]  }
0x56: {  	v51 =	vld [tilespmem:$0x1FE60]  }
0x57: {  	v52 =	vld [tilespmem:$0x1FE70]  }
0x58: {  	v53 =	vld [tilespmem:$0x1FE80]  }
0x59: {  	v54 =	vld [tilespmem:$0x1FE90]  }
0x5a: {  	v55 =	vld [tilespmem:$0x1FEA0]  }
0x5b: {  	v56 =	vld [tilespmem:$0x1FEB0]  }
0x5c: {  	v57 =	vld [tilespmem:$0x1FEC0]  }
0x5d: {  	v58 =	vld [tilespmem:$0x1FED0]  }
0x5e: {  	v59 =	vld [tilespmem:$0x1FEE0]  }
0x5f: {  	v60 =	vld [tilespmem:$0x1FEF0]  }
0x60: {  	v61 =	vld [tilespmem:$0x1FF00]  }
0x61: {  	v62 =	vld [tilespmem:$0x1FF10]  }
0x62: {  	v24 =	vld [tilespmem:$0x1FF20]  }
0x63: {  	v25 =	vld [tilespmem:$0x1FF30]  }
0x64: {  	v26 =	vld [tilespmem:$0x1FF40]  }
0x65: {  	v27 =	vld [tilespmem:$0x1FF50]  }
0x66: {  	v28 =	vld [tilespmem:$0x1FF60]  }
0x67: {  	v29 =	vld [tilespmem:$0x1FF70]  }
0x68: {  	v30 =	vld [tilespmem:$0x1FF80]  }
0x69: {  	v31 =	vld [tilespmem:$0x1FF90]  }
0x6a: {  	v32 =	vld [tilespmem:$0x1FFA0]  }
0x6b: {  	v33 =	vld [tilespmem:$0x1FFB0]  }
0x6c: {  	v34 =	vld [tilespmem:$0x1FFC0]  }
0x6d: {  	v35 =	vld [tilespmem:$0x1FFD0]  }
0x6e: {  	[sflag:s9] =	ssyncset.done $0x0;
	v36 =	vld [tilespmem:$0x1FFE0]  }
0x6f: {  	s15 =	simm.s32 $0x10780;
	s16 =	simm.s32 $0x0;
	v37 =	vld [tilespmem:$0x1FFF0];
	[sflag:s9] =	ssyncadd.s32 $0xFFFFFE00  }
.LBB2_2:
0x70: {  	v3 =	vld [tilespmem:s14+$0x0];
	_ =	sdelay $0x4  }
0x71: {  	(v2sf) =	vpush v3, $0xD;
	_ =	sdelay $0x1  }
0x72: {  	(v2sf) =	vpush v3, $0xC;
	_ =	sdelay $0x1  }
0x73: {  	(v2sf) =	vpush v3, $0xE;
	_ =	sdelay $0x1  }
0x74: {  	(v2sf) =	vpush v3, $0xF;
	_ =	sdelay $0x1  }
0x75: {  	(v2sf) =	vpush v3, $0x9;
	_ =	sdelay $0x1  }
0x76: {  	(v2sf) =	vpush v3, $0x8;
	_ =	sdelay $0x1  }
0x77: {  	(v2sf) =	vpush v3, $0xA;
	_ =	sdelay $0x1  }
0x78: {  	(v2sf) =	vpush v3, $0xB  }
0x79: {  	s17 =	spop (v2sf)  }
0x7a: {  	s18 =	smulhi.u32 $0x55555556, s17;
	s17 =	sshra.s32 s17, $0x1F  }
0x7b: {  	(v2sf) =	vpush v3, $0x1;
	s19 =	spop (v2sf);
	s17 =	smul.u32 $0x55555556, s17  }
0x7c: {  	s20 =	smulhi.u32 $0x55555556, s19;
	s19 =	sshra.s32 s19, $0x1F  }
0x7d: {  	(v2sf) =	vpush v3, $0x0;
	s31 =	spop (v2sf);
	s21 =	smul.u32 $0x55555556, s19  }
0x7e: {  	(v2sf) =	vpush v3, $0x2;
	s22 =	smulhi.u32 $0x55555556, s31;
	s19 =	sshra.s32 s31, $0x1F  }
0x7f: {  	s0 =	spop (v2sf);
	s23 =	smul.u32 $0x55555556, s19  }
0x80: {  	s24 =	smulhi.u32 $0x55555556, s0;
	s19 =	sshra.s32 s0, $0x1F  }
0x81: {  	(v2sf) =	vpush v3, $0x3;
	s1 =	spop (v2sf);
	s25 =	smul.u32 $0x55555556, s19  }
0x82: {  	(v2sf) =	vpush v3, $0x4;
	s26 =	smulhi.u32 $0x55555556, s1;
	s19 =	sshra.s32 s1, $0x1F  }
0x83: {  	s2 =	spop (v2sf);
	s28 =	smul.u32 $0x55555556, s19  }
0x84: {  	s29 =	smulhi.u32 $0x55555556, s2;
	s19 =	sshra.s32 s2, $0x1F  }
0x85: {  	(v2sf) =	vpush v3, $0x5;
	s3 =	spop (v2sf);
	s30 =	smul.u32 $0x55555556, s19  }
0x86: {  	(v2sf) =	vpush v3, $0x6;
	s31 =	smulhi.u32 $0x55555556, s3;
	s19 =	sshra.s32 s3, $0x1F  }
0x87: {  	s12 =	spop (v2sf);
	s2 =	smul.u32 $0x55555556, s19  }
0x88: {  	s21 =	sadd.s32 s21, s20;
	s3 =	smulhi.u32 $0x55555556, s12;
	s19 =	sshra.s32 s12, $0x1F  }
0x89: {  	v63 =	vmov s21;
	s21 =	sshrl.u32 s21, $0x1F;
	(v2sf) =	vpush v3, $0x7;
	s1 =	smul.u32 $0x55555556, s19  }
0x8a: {  	s19 =	sadd.s32 s17, s18;
	s18 =	sadd.s32 s23, s22;
	s0 =	spop (v2sf)  }
0x8b: {  	s2 =	sadd.s32 s2, s31;
	s12 =	smulhi.u32 $0x55555556, s0;
	s0 =	sshra.s32 s0, $0x1F  }
0x8c: {  	v63 =	vsel vm0, s19, v63;
	s19 =	sshrl.u32 s19, $0x1F;
	s17 =	spop (v2sf);
	s0 =	smul.u32 $0x55555556, s0  }
0x8d: {  	s22 =	smulhi.u32 $0x55555556, s17;
	s20 =	sshra.s32 s17, $0x1F;
	s23 =	spop (v2sf)  }
0x8e: {  	s17 =	sadd.s32 s25, s24;
	s25 =	sadd.s32 s28, s26;
	s24 =	smul.u32 $0x55555556, s20  }
0x8f: {  	s28 =	sadd.s32 s30, s29;
	s26 =	smulhi.u32 $0x55555556, s23;
	s20 =	sshra.s32 s23, $0x1F  }
0x90: {  	s23 =	spop (v2sf);
	v4 =	vmov s28;
	s28 =	sshrl.u32 s28, $0x1F;
	s29 =	smul.u32 $0x55555556, s20  }
0x91: {  	s30 =	smulhi.u32 $0x55555556, s23;
	s23 =	sshra.s32 s23, $0x1F;
	s31 =	spop (v2sf)  }
0x92: {  	s20 =	sadd.s32 s1, s3;
	s0 =	sadd.s32 s0, s12;
	s1 =	smul.u32 $0x55555556, s23  }
0x93: {  	s3 =	sadd.s32 s24, s22;
	s22 =	smulhi.u32 $0x55555556, s31;
	s24 =	sshra.s32 s31, $0x1F  }
0x94: {  	s31 =	spop (v2sf);
	s12 =	smul.u32 $0x55555556, s24;
	s23 =	sadd.s32 s29, s26  }
0x95: {  	v10 =	vmov s21;
	v63 =	vsel vm1, s18, v63;
	s26 =	smulhi.u32 $0x55555556, s31;
	s24 =	sshra.s32 s31, $0x1F;
	s31 =	spop (v2sf)  }
0x96: {  	v63 =	vsel vm2, s17, v63;
	v4 =	vsel vm0, s25, v4;
	v3 =	vmov s3;
	s3 =	sshrl.u32 s3, $0x1F;
	s1 =	sadd.s32 s1, s30;
	s24 =	smul.u32 $0x55555556, s24  }
0x97: {  	v6 =	vmov s28;
	v4 =	vsel vm1, s2, v4;
	v3 =	vnsel vm3, $0x0, v3;
	s29 =	sshra.s32 s31, $0x1F;
	s12 =	sadd.s32 s12, s22;
	s22 =	smulhi.u32 $0x55555556, s31  }
0x98: {  	v4 =	vsel vm2, s20, v4;
	v5 =	vmov s3;
	s30 =	sshrl.u32 s23, $0x1F;
	v3 =	vsel vm0, s0, v3;
	s29 =	smul.u32 $0x55555556, s29;
	s31 =	spop (v2sf)  }
0x99: {  	v4 =	vcombine.low v4, v63;
	v5 =	vnsel vm3, $0x0, v5;
	s0 =	sshrl.u32 s0, $0x1F;
	v3 =	vsel vm1, s23, v3;
	s3 =	smulhi.u32 $0x55555556, s31;
	s31 =	sshra.s32 s31, $0x1F  }
0x9a: {  	v63 =	vsel vm0, s19, v10;
	s19 =	sshrl.u32 s18, $0x1F;
	s24 =	sadd.s32 s24, s26;
	v5 =	vsel vm0, s0, v5;
	v3 =	vsel vm2, s1, v3;
	s26 =	smul.u32 $0x55555556, s31  }
0x9b: {  	v63 =	vsel vm1, s19, v63;
	s31 =	sshrl.u32 s25, $0x1F;
	v5 =	vsel vm1, s30, v5;
	s1 =	sshrl.u32 s1, $0x1F;
	s25 =	sshrl.u32 s17, $0x1F;
	v3 =	vsel vm4, s12, v3  }
0x9c: {  	s2 =	sshrl.u32 s2, $0x1F;
	s23 =	sshrl.u32 s12, $0x1F;
	v6 =	vsel vm0, s31, v6;
	v5 =	vsel vm2, s1, v5;
	v63 =	vsel vm2, s25, v63  }
0x9d: {  	s28 =	sshrl.u32 s20, $0x1F;
	s22 =	sadd.s32 s29, s22;
	s29 =	sshrl.u32 s24, $0x1F;
	v3 =	vsel vm5, s24, v3;
	v6 =	vsel vm1, s2, v6;
	v5 =	vsel vm4, s23, v5  }
0x9e: {  	s30 =	sshrl.u32 s22, $0x1F;
	s3 =	sadd.s32 s26, s3;
	v3 =	vsel vm6, s22, v3;
	v6 =	vsel vm2, s28, v6;
	v5 =	vsel vm5, s29, v5  }
0x9f: {  	s31 =	sshrl.u32 s3, $0x1F;
	v3 =	vsel vm7, s3, v3;
	v6 =	vcombine.low v6, v63;
	v5 =	vsel vm6, s30, v5  }
0xa0: {  	v4 =	vperm.xlane v4, v0;
	v3 =	vperm.xlane v3, v2;
	v5 =	vsel vm7, s31, v5  }
0xa1: {  	v6 =	vperm.xlane v6, v0;
	v5 =	vperm.xlane v5, v2;
	_ =	sdelay $0x1  }
0xa2: {  	v3 =	vsel vm8, v3, v4;
	v11 =	vsel vm8, v5, v6  }
0xa3: {  	v12 =	vor.u32 s16, v1;
	v63 =	vadd.s32 v11, v3  }
0xa4: {  	v3 =	vshll.u32 v63, $0x7  }
0xa5: {  	v13 =	vor.u32 s16, v17  }
0xa6: {  	v14 =	vor.u32 $0x1, v3  }
0xa7: {  	v7 =	vor.u32 s16, v18  }
0xa8: {  	v4 =	vld.idx.msk [tilespmem:v12+s4+$0x0], $0xffff;
	v8 =	vor.u32 $0x2, v3  }
0xa9: {  	v11 =	vor.u32 $0x3, v3;
	v9 =	vld.idx.msk [tilespmem:v3+s10+$0x0], $0xffff  }
0xaa: {  	v10 =	vor.u32 s16, v19;
	v5 =	vld.idx.msk [tilespmem:v13+s4+$0x0], $0xffff  }
0xab: {  	v13 =	vor.u32 $0x4, v3;
	v6 =	vld.idx.msk [tilespmem:v14+s10+$0x0], $0xffff  }
0xac: {  	v7 =	vld.idx.msk [tilespmem:v7+s4+$0x0], $0xffff;
	v12 =	vor.u32 s16, v20  }
0xad: {  	v8 =	vld.idx.msk [tilespmem:v8+s10+$0x0], $0xffff;
	v14 =	vor.u32 s16, v21  }
0xae: {  	v11 =	vld.idx.msk [tilespmem:v11+s10+$0x0], $0xffff;
	v4 =	vmul.f32 v9, v4  }
0xaf: {  	v15 =	vor.u32 s16, v22;
	v9 =	vld.idx.msk [tilespmem:v10+s4+$0x0], $0xffff  }
0xb0: {  	v13 =	vld.idx.msk [tilespmem:v13+s10+$0x0], $0xffff;
	v5 =	vmul.f32 v6, v5;
	v4 =	vadd.f32 $0.0e+00, v4  }
0xb1: {  	v6 =	vld.idx.msk [tilespmem:v12+s4+$0x0], $0xffff  }
0xb2: {  	v4 =	vadd.f32 v5, v4;
	v5 =	vmul.f32 v8, v7;
	v7 =	vld.idx.msk [tilespmem:v14+s4+$0x0], $0xffff  }
0xb3: {  	v10 =	vor.u32 $0x5, v3;
	v14 =	vld [tilespmem:$0x1FCB0]  }
0xb4: {  	v12 =	vor.u32 $0x6, v3;
	v4 =	vadd.f32 v5, v4;
	v5 =	vmul.f32 v11, v9;
	v9 =	vld.idx.msk [tilespmem:v15+s4+$0x0], $0xffff  }
0xb5: {  	v16 =	vor.u32 s16, v23;
	v15 =	vld [tilespmem:$0x1FCC0];
	_ =	sdelay $0x1  }
0xb6: {  	v8 =	vor.u32 $0x7, v3  }
0xb7: {  	v10 =	vld.idx.msk [tilespmem:v10+s10+$0x0], $0xffff;
	v14 =	vor.u32 s16, v14  }
0xb8: {  	v12 =	vld.idx.msk [tilespmem:v12+s10+$0x0], $0xffff  }
0xb9: {  	v4 =	vadd.f32 v5, v4;
	v5 =	vmul.f32 v13, v6;
	v6 =	vld.idx.msk [tilespmem:v16+s4+$0x0], $0xffff;
	v15 =	vor.u32 s16, v15  }
0xba: {  	v16 =	vld [tilespmem:$0x1FCD0]  }
0xbb: {  	v8 =	vld.idx.msk [tilespmem:v8+s10+$0x0], $0xffff  }
0xbc: {  	v4 =	vadd.f32 v5, v4;
	v5 =	vmul.f32 v10, v7;
	v7 =	vld.idx.msk [tilespmem:v14+s4+$0x0], $0xffff  }
0xbd: {  	v11 =	vor.u32 $0x8, v3;
	v14 =	vld [tilespmem:$0x1FCE0]  }
0xbe: {  	v13 =	vor.u32 $0x9, v3;
	v4 =	vadd.f32 v5, v4;
	v5 =	vmul.f32 v12, v9;
	v9 =	vld.idx.msk [tilespmem:v15+s4+$0x0], $0xffff  }
0xbf: {  	v16 =	vor.u32 s16, v16;
	v15 =	vld [tilespmem:$0x1FCF0];
	_ =	sdelay $0x1  }
0xc0: {  	v10 =	vor.u32 $0xA, v3  }
0xc1: {  	v11 =	vld.idx.msk [tilespmem:v11+s10+$0x0], $0xffff;
	v14 =	vor.u32 s16, v14  }
0xc2: {  	v13 =	vld.idx.msk [tilespmem:v13+s10+$0x0], $0xffff  }
0xc3: {  	v4 =	vadd.f32 v5, v4;
	v5 =	vmul.f32 v8, v6;
	v6 =	vld.idx.msk [tilespmem:v16+s4+$0x0], $0xffff;
	v15 =	vor.u32 s16, v15  }
0xc4: {  	v16 =	vld [tilespmem:$0x1FD00]  }
0xc5: {  	v10 =	vld.idx.msk [tilespmem:v10+s10+$0x0], $0xffff  }
0xc6: {  	v4 =	vadd.f32 v5, v4;
	v5 =	vmul.f32 v11, v7;
	v7 =	vld.idx.msk [tilespmem:v14+s4+$0x0], $0xffff  }
0xc7: {  	v12 =	vor.u32 $0xB, v3;
	v14 =	vld [tilespmem:$0x1FD10]  }
0xc8: {  	v8 =	vor.u32 $0xC, v3;
	v4 =	vadd.f32 v5, v4;
	v5 =	vmul.f32 v13, v9;
	v9 =	vld.idx.msk [tilespmem:v15+s4+$0x0], $0xffff  }
0xc9: {  	v16 =	vor.u32 s16, v16;
	v15 =	vld [tilespmem:$0x1FD20];
	_ =	sdelay $0x1  }
0xca: {  	v11 =	vor.u32 $0xD, v3  }
0xcb: {  	v12 =	vld.idx.msk [tilespmem:v12+s10+$0x0], $0xffff;
	v14 =	vor.u32 s16, v14  }
0xcc: {  	v8 =	vld.idx.msk [tilespmem:v8+s10+$0x0], $0xffff  }
0xcd: {  	v4 =	vadd.f32 v5, v4;
	v5 =	vmul.f32 v10, v6;
	v6 =	vld.idx.msk [tilespmem:v16+s4+$0x0], $0xffff;
	v15 =	vor.u32 s16, v15  }
0xce: {  	v16 =	vld [tilespmem:$0x1FD30]  }
0xcf: {  	v11 =	vld.idx.msk [tilespmem:v11+s10+$0x0], $0xffff  }
0xd0: {  	v4 =	vadd.f32 v5, v4;
	v5 =	vmul.f32 v12, v7;
	v7 =	vld.idx.msk [tilespmem:v14+s4+$0x0], $0xffff  }
0xd1: {  	v13 =	vor.u32 $0xE, v3;
	v14 =	vld [tilespmem:$0x1FD40]  }
0xd2: {  	v10 =	vor.u32 $0xF, v3;
	v4 =	vadd.f32 v5, v4;
	v5 =	vmul.f32 v8, v9;
	v8 =	vld.idx.msk [tilespmem:v15+s4+$0x0], $0xffff  }
0xd3: {  	v16 =	vor.u32 s16, v16;
	v15 =	vld [tilespmem:$0x1FD50];
	_ =	sdelay $0x1  }
0xd4: {  	v12 =	vor.u32 $0x10, v3  }
0xd5: {  	v13 =	vld.idx.msk [tilespmem:v13+s10+$0x0], $0xffff;
	v14 =	vor.u32 s16, v14  }
0xd6: {  	v10 =	vld.idx.msk [tilespmem:v10+s10+$0x0], $0xffff  }
0xd7: {  	v4 =	vadd.f32 v5, v4;
	v5 =	vmul.f32 v11, v6;
	v6 =	vld.idx.msk [tilespmem:v16+s4+$0x0], $0xffff;
	v15 =	vor.u32 s16, v15  }
0xd8: {  	v16 =	vld [tilespmem:$0x1FD60]  }
0xd9: {  	v9 =	vor.u32 $0x11, v3;
	v12 =	vld.idx.msk [tilespmem:v12+s10+$0x0], $0xffff  }
0xda: {  	v4 =	vadd.f32 v5, v4;
	v5 =	vmul.f32 v13, v7;
	v7 =	vld.idx.msk [tilespmem:v14+s4+$0x0], $0xffff  }
0xdb: {  	v11 =	vor.u32 $0x12, v3;
	v14 =	vld [tilespmem:$0x1FD70]  }
0xdc: {  	v13 =	vor.u32 $0x13, v3;
	v4 =	vadd.f32 v5, v4;
	v5 =	vmul.f32 v10, v8;
	v8 =	vld.idx.msk [tilespmem:v15+s4+$0x0], $0xffff  }
0xdd: {  	v16 =	vor.u32 s16, v16;
	v15 =	vld [tilespmem:$0x1FD80]  }
0xde: {  	v9 =	vld.idx.msk [tilespmem:v9+s10+$0x0], $0xffff  }
0xdf: {  	v10 =	vor.u32 $0x14, v3  }
0xe0: {  	v11 =	vld.idx.msk [tilespmem:v11+s10+$0x0], $0xffff;
	v14 =	vor.u32 s16, v14  }
0xe1: {  	v4 =	vadd.f32 v5, v4;
	v5 =	vmul.f32 v12, v6;
	v12 =	vor.u32 $0x15, v3;
	v13 =	vld.idx.msk [tilespmem:v13+s10+$0x0], $0xffff  }
0xe2: {  	v6 =	vld.idx.msk [tilespmem:v16+s4+$0x0], $0xffff;
	v15 =	vor.u32 s16, v15  }
0xe3: {  	v4 =	vadd.f32 v5, v4;
	v16 =	vor.u32 s16, v38;
	v5 =	vmul.f32 v9, v7  }
0xe4: {  	v10 =	vld.idx.msk [tilespmem:v10+s10+$0x0], $0xffff;
	v9 =	vor.u32 $0x16, v3  }
0xe5: {  	v4 =	vadd.f32 v5, v4;
	v5 =	vmul.f32 v11, v8;
	v11 =	vor.u32 $0x17, v3;
	v7 =	vld.idx.msk [tilespmem:v14+s4+$0x0], $0xffff  }
0xe6: {  	v12 =	vld.idx.msk [tilespmem:v12+s10+$0x0], $0xffff;
	v14 =	vor.u32 s16, v39  }
0xe7: {  	v4 =	vadd.f32 v5, v4;
	v5 =	vmul.f32 v13, v6;
	v13 =	vor.u32 $0x18, v3;
	v8 =	vld.idx.msk [tilespmem:v15+s4+$0x0], $0xffff  }
0xe8: {  	v6 =	vld.idx.msk [tilespmem:v16+s4+$0x0], $0xffff;
	v15 =	vor.u32 s16, v40  }
0xe9: {  	v16 =	vor.u32 s16, v41;
	v9 =	vld.idx.msk [tilespmem:v9+s10+$0x0], $0xffff  }
0xea: {  	v4 =	vadd.f32 v5, v4;
	v11 =	vld.idx.msk [tilespmem:v11+s10+$0x0], $0xffff;
	v5 =	vmul.f32 v10, v7;
	v10 =	vor.u32 $0x19, v3  }
0xeb: {  	v7 =	vld.idx.msk [tilespmem:v14+s4+$0x0], $0xffff;
	v14 =	vor.u32 s16, v42  }
0xec: {  	v13 =	vld.idx.msk [tilespmem:v13+s10+$0x0], $0xffff;
	v4 =	vadd.f32 v5, v4;
	v5 =	vmul.f32 v12, v8;
	v12 =	vor.u32 $0x1A, v3  }
0xed: {  	v8 =	vld.idx.msk [tilespmem:v15+s4+$0x0], $0xffff;
	v15 =	vor.u32 s16, v43  }
0xee: {  	v4 =	vadd.f32 v5, v4;
	v5 =	vmul.f32 v9, v6;
	v6 =	vld.idx.msk [tilespmem:v16+s4+$0x0], $0xffff;
	v9 =	vor.u32 $0x1B, v3  }
0xef: {  	v16 =	vor.u32 s16, v44;
	v10 =	vld.idx.msk [tilespmem:v10+s10+$0x0], $0xffff  }
0xf0: {  	v4 =	vadd.f32 v5, v4;
	v5 =	vmul.f32 v11, v7;
	v7 =	vld.idx.msk [tilespmem:v14+s4+$0x0], $0xffff;
	v11 =	vor.u32 $0x1C, v3  }
0xf1: {  	v14 =	vor.u32 s16, v45;
	v12 =	vld.idx.msk [tilespmem:v12+s10+$0x0], $0xffff  }
0xf2: {  	v4 =	vadd.f32 v5, v4;
	v5 =	vmul.f32 v13, v8;
	v8 =	vld.idx.msk [tilespmem:v15+s4+$0x0], $0xffff;
	v13 =	vor.u32 $0x1D, v3  }
0xf3: {  	v15 =	vor.u32 s16, v46;
	v9 =	vld.idx.msk [tilespmem:v9+s10+$0x0], $0xffff  }
0xf4: {  	v4 =	vadd.f32 v5, v4;
	v5 =	vmul.f32 v10, v6;
	v6 =	vld.idx.msk [tilespmem:v16+s4+$0x0], $0xffff;
	v10 =	vor.u32 $0x1E, v3  }
0xf5: {  	v16 =	vor.u32 s16, v47;
	v11 =	vld.idx.msk [tilespmem:v11+s10+$0x0], $0xffff  }
0xf6: {  	v4 =	vadd.f32 v5, v4;
	v5 =	vmul.f32 v12, v7;
	v7 =	vld.idx.msk [tilespmem:v14+s4+$0x0], $0xffff;
	v12 =	vor.u32 $0x1F, v3  }
0xf7: {  	v14 =	vor.u32 s16, v48;
	v13 =	vld.idx.msk [tilespmem:v13+s10+$0x0], $0xffff  }
0xf8: {  	v4 =	vadd.f32 v5, v4;
	v5 =	vmul.f32 v9, v8;
	v8 =	vld.idx.msk [tilespmem:v15+s4+$0x0], $0xffff;
	v9 =	vor.u32 $0x20, v3  }
0xf9: {  	v15 =	vor.u32 s16, v49;
	v10 =	vld.idx.msk [tilespmem:v10+s10+$0x0], $0xffff  }
0xfa: {  	v4 =	vadd.f32 v5, v4;
	v5 =	vmul.f32 v11, v6;
	v6 =	vld.idx.msk [tilespmem:v16+s4+$0x0], $0xffff;
	v11 =	vor.u32 $0x21, v3  }
0xfb: {  	v16 =	vor.u32 s16, v50;
	v12 =	vld.idx.msk [tilespmem:v12+s10+$0x0], $0xffff  }
0xfc: {  	v4 =	vadd.f32 v5, v4;
	v5 =	vmul.f32 v13, v7;
	v7 =	vld.idx.msk [tilespmem:v14+s4+$0x0], $0xffff;
	v13 =	vor.u32 $0x22, v3  }
0xfd: {  	v14 =	vor.u32 s16, v51;
	v9 =	vld.idx.msk [tilespmem:v9+s10+$0x0], $0xffff  }
0xfe: {  	v4 =	vadd.f32 v5, v4;
	v5 =	vmul.f32 v10, v8;
	v8 =	vld.idx.msk [tilespmem:v15+s4+$0x0], $0xffff;
	v10 =	vor.u32 $0x23, v3  }
0xff: {  	v15 =	vor.u32 s16, v52;
	v11 =	vld.idx.msk [tilespmem:v11+s10+$0x0], $0xffff  }
0x100: {  	v4 =	vadd.f32 v5, v4;
	v5 =	vmul.f32 v12, v6;
	v6 =	vld.idx.msk [tilespmem:v16+s4+$0x0], $0xffff;
	v12 =	vor.u32 $0x24, v3  }
0x101: {  	v16 =	vor.u32 s16, v53;
	v13 =	vld.idx.msk [tilespmem:v13+s10+$0x0], $0xffff  }
0x102: {  	v4 =	vadd.f32 v5, v4;
	v5 =	vmul.f32 v9, v7;
	v7 =	vld.idx.msk [tilespmem:v14+s4+$0x0], $0xffff;
	v9 =	vor.u32 $0x25, v3  }
0x103: {  	v14 =	vor.u32 s16, v54;
	v10 =	vld.idx.msk [tilespmem:v10+s10+$0x0], $0xffff  }
0x104: {  	v4 =	vadd.f32 v5, v4;
	v5 =	vmul.f32 v11, v8;
	v8 =	vld.idx.msk [tilespmem:v15+s4+$0x0], $0xffff;
	v11 =	vor.u32 $0x26, v3  }
0x105: {  	v15 =	vor.u32 s16, v55;
	v12 =	vld.idx.msk [tilespmem:v12+s10+$0x0], $0xffff  }
0x106: {  	v4 =	vadd.f32 v5, v4;
	v5 =	vmul.f32 v13, v6;
	v6 =	vld.idx.msk [tilespmem:v16+s4+$0x0], $0xffff;
	v13 =	vor.u32 $0x27, v3  }
0x107: {  	v16 =	vor.u32 s16, v56;
	v9 =	vld.idx.msk [tilespmem:v9+s10+$0x0], $0xffff  }
0x108: {  	v4 =	vadd.f32 v5, v4;
	v5 =	vmul.f32 v10, v7;
	v7 =	vld.idx.msk [tilespmem:v14+s4+$0x0], $0xffff;
	v10 =	vor.u32 $0x28, v3  }
0x109: {  	v14 =	vor.u32 s16, v57;
	v11 =	vld.idx.msk [tilespmem:v11+s10+$0x0], $0xffff  }
0x10a: {  	v4 =	vadd.f32 v5, v4;
	v5 =	vmul.f32 v12, v8;
	v8 =	vld.idx.msk [tilespmem:v15+s4+$0x0], $0xffff;
	v12 =	vor.u32 $0x29, v3  }
0x10b: {  	v15 =	vor.u32 s16, v58;
	v13 =	vld.idx.msk [tilespmem:v13+s10+$0x0], $0xffff  }
0x10c: {  	v4 =	vadd.f32 v5, v4;
	v5 =	vmul.f32 v9, v6;
	v6 =	vld.idx.msk [tilespmem:v16+s4+$0x0], $0xffff;
	v9 =	vor.u32 $0x2A, v3  }
0x10d: {  	v16 =	vor.u32 s16, v59;
	v10 =	vld.idx.msk [tilespmem:v10+s10+$0x0], $0xffff  }
0x10e: {  	v4 =	vadd.f32 v5, v4;
	v5 =	vmul.f32 v11, v7;
	v7 =	vld.idx.msk [tilespmem:v14+s4+$0x0], $0xffff;
	v11 =	vor.u32 $0x2B, v3  }
0x10f: {  	v14 =	vor.u32 s16, v60;
	v12 =	vld.idx.msk [tilespmem:v12+s10+$0x0], $0xffff  }
0x110: {  	v4 =	vadd.f32 v5, v4;
	v5 =	vmul.f32 v13, v8;
	v8 =	vld.idx.msk [tilespmem:v15+s4+$0x0], $0xffff;
	v13 =	vor.u32 $0x2C, v3  }
0x111: {  	v15 =	vor.u32 s16, v61;
	v9 =	vld.idx.msk [tilespmem:v9+s10+$0x0], $0xffff  }
0x112: {  	v4 =	vadd.f32 v5, v4;
	v5 =	vmul.f32 v10, v6;
	v6 =	vld.idx.msk [tilespmem:v16+s4+$0x0], $0xffff;
	v10 =	vor.u32 $0x2D, v3  }
0x113: {  	v16 =	vor.u32 s16, v62;
	v11 =	vld.idx.msk [tilespmem:v11+s10+$0x0], $0xffff  }
0x114: {  	v4 =	vadd.f32 v5, v4;
	v5 =	vmul.f32 v12, v7;
	v7 =	vld.idx.msk [tilespmem:v14+s4+$0x0], $0xffff;
	v12 =	vor.u32 $0x2E, v3  }
0x115: {  	v14 =	vor.u32 s16, v24;
	v13 =	vld.idx.msk [tilespmem:v13+s10+$0x0], $0xffff  }
0x116: {  	v4 =	vadd.f32 v5, v4;
	v5 =	vmul.f32 v9, v8;
	v8 =	vld.idx.msk [tilespmem:v15+s4+$0x0], $0xffff;
	v9 =	vor.u32 $0x2F, v3  }
0x117: {  	v15 =	vor.u32 s16, v25;
	v10 =	vld.idx.msk [tilespmem:v10+s10+$0x0], $0xffff  }
0x118: {  	v4 =	vadd.f32 v5, v4;
	v5 =	vmul.f32 v11, v6;
	v6 =	vld.idx.msk [tilespmem:v16+s4+$0x0], $0xffff;
	v11 =	vor.u32 $0x30, v3  }
0x119: {  	v16 =	vor.u32 s16, v26;
	v12 =	vld.idx.msk [tilespmem:v12+s10+$0x0], $0xffff  }
0x11a: {  	v4 =	vadd.f32 v5, v4;
	v5 =	vmul.f32 v13, v7;
	v7 =	vld.idx.msk [tilespmem:v14+s4+$0x0], $0xffff;
	v13 =	vor.u32 $0x31, v3  }
0x11b: {  	v14 =	vor.u32 s16, v27;
	v9 =	vld.idx.msk [tilespmem:v9+s10+$0x0], $0xffff  }
0x11c: {  	v4 =	vadd.f32 v5, v4;
	v5 =	vmul.f32 v10, v8;
	v8 =	vld.idx.msk [tilespmem:v15+s4+$0x0], $0xffff;
	v10 =	vor.u32 $0x32, v3  }
0x11d: {  	v15 =	vor.u32 s16, v28;
	v11 =	vld.idx.msk [tilespmem:v11+s10+$0x0], $0xffff  }
0x11e: {  	v4 =	vadd.f32 v5, v4;
	v5 =	vmul.f32 v12, v6;
	v6 =	vld.idx.msk [tilespmem:v16+s4+$0x0], $0xffff;
	v12 =	vor.u32 $0x33, v3  }
0x11f: {  	v16 =	vor.u32 s16, v29;
	v13 =	vld.idx.msk [tilespmem:v13+s10+$0x0], $0xffff  }
0x120: {  	v4 =	vadd.f32 v5, v4;
	v5 =	vmul.f32 v9, v7;
	v7 =	vld.idx.msk [tilespmem:v14+s4+$0x0], $0xffff;
	v9 =	vor.u32 $0x34, v3  }
0x121: {  	v14 =	vor.u32 s16, v30;
	v10 =	vld.idx.msk [tilespmem:v10+s10+$0x0], $0xffff  }
0x122: {  	v4 =	vadd.f32 v5, v4;
	v5 =	vmul.f32 v11, v8;
	v8 =	vld.idx.msk [tilespmem:v15+s4+$0x0], $0xffff;
	v11 =	vor.u32 $0x35, v3  }
0x123: {  	v15 =	vor.u32 s16, v31;
	v12 =	vld.idx.msk [tilespmem:v12+s10+$0x0], $0xffff  }
0x124: {  	v4 =	vadd.f32 v5, v4;
	v5 =	vmul.f32 v13, v6;
	v6 =	vld.idx.msk [tilespmem:v16+s4+$0x0], $0xffff;
	v13 =	vor.u32 $0x36, v3  }
0x125: {  	v16 =	vor.u32 s16, v32;
	v9 =	vld.idx.msk [tilespmem:v9+s10+$0x0], $0xffff  }
0x126: {  	v4 =	vadd.f32 v5, v4;
	v5 =	vmul.f32 v10, v7;
	v7 =	vld.idx.msk [tilespmem:v14+s4+$0x0], $0xffff;
	v10 =	vor.u32 $0x37, v3  }
0x127: {  	v14 =	vor.u32 s16, v33;
	v11 =	vld.idx.msk [tilespmem:v11+s10+$0x0], $0xffff  }
0x128: {  	v4 =	vadd.f32 v5, v4;
	v5 =	vmul.f32 v12, v8;
	v8 =	vld.idx.msk [tilespmem:v15+s4+$0x0], $0xffff;
	v12 =	vor.u32 $0x38, v3  }
0x129: {  	v15 =	vor.u32 s16, v34;
	v13 =	vld.idx.msk [tilespmem:v13+s10+$0x0], $0xffff  }
0x12a: {  	v4 =	vadd.f32 v5, v4;
	v5 =	vmul.f32 v9, v6;
	v6 =	vld.idx.msk [tilespmem:v16+s4+$0x0], $0xffff;
	v9 =	vor.u32 $0x39, v3  }
0x12b: {  	v10 =	vld.idx.msk [tilespmem:v10+s10+$0x0], $0xffff  }
0x12c: {  	v4 =	vadd.f32 v5, v4;
	v5 =	vmul.f32 v11, v7;
	v7 =	vld.idx.msk [tilespmem:v14+s4+$0x0], $0xffff;
	v11 =	vor.u32 s16, v35  }
0x12d: {  	v14 =	vor.u32 $0x3A, v3;
	v12 =	vld.idx.msk [tilespmem:v12+s10+$0x0], $0xffff  }
0x12e: {  	v4 =	vadd.f32 v5, v4;
	v5 =	vmul.f32 v13, v8;
	v8 =	vld.idx.msk [tilespmem:v15+s4+$0x0], $0xffff;
	v13 =	vor.u32 s16, v36  }
0x12f: {  	v15 =	vor.u32 $0x3B, v3;
	v9 =	vld.idx.msk [tilespmem:v9+s10+$0x0], $0xffff  }
0x130: {  	v4 =	vadd.f32 v5, v4;
	v5 =	vmul.f32 v10, v6;
	v6 =	vor.u32 s16, v37  }
0x131: {  	v16 =	vor.u32 $0x3D, v1;
	v10 =	vld.idx.msk [tilespmem:v11+s4+$0x0], $0xffff;
	v11 =	vor.u32 $0x3C, v3  }
0x132: {  	v4 =	vadd.f32 v5, v4;
	v5 =	vmul.f32 v12, v7;
	v7 =	vld.idx.msk [tilespmem:v14+s10+$0x0], $0xffff;
	v12 =	vor.u32 s16, v16  }
0x133: {  	v14 =	vor.u32 $0x3D, v3;
	v16 =	vor.u32 $0x3E, v1;
	v13 =	vld.idx.msk [tilespmem:v13+s4+$0x0], $0xffff  }
0x134: {  	v4 =	vadd.f32 v5, v4;
	v5 =	vmul.f32 v9, v8;
	v8 =	vld.idx.msk [tilespmem:v15+s10+$0x0], $0xffff;
	v9 =	vor.u32 s16, v16  }
0x135: {  	v15 =	vor.u32 $0x3E, v3;
	v16 =	vor.u32 $0x3F, v1;
	v6 =	vld.idx.msk [tilespmem:v6+s4+$0x0], $0xffff  }
0x136: {  	v4 =	vadd.f32 v5, v4;
	v5 =	vld.idx.msk [tilespmem:v11+s10+$0x0], $0xffff;
	v11 =	vor.u32 s16, v16  }
0x137: {  	v16 =	vor.u32 $0x40, v1;
	v7 =	vmul.f32 v7, v10;
	v10 =	vld.idx.msk [tilespmem:v12+s4+$0x0], $0xffff;
	v12 =	vor.u32 $0x3F, v3  }
0x138: {  	v14 =	vld.idx.msk [tilespmem:v14+s10+$0x0], $0xffff;
	v16 =	vor.u32 s16, v16  }
0x139: {  	v4 =	vadd.f32 v7, v4;
	v7 =	vmul.f32 v8, v13;
	v8 =	vld.idx.msk [tilespmem:v9+s4+$0x0], $0xffff;
	v9 =	vor.u32 $0x40, v3  }
0x13a: {  	v13 =	vld.idx.msk [tilespmem:v15+s10+$0x0], $0xffff;
	v15 =	vor.u32 $0x41, v1  }
0x13b: {  	v4 =	vadd.f32 v7, v4;
	v5 =	vmul.f32 v5, v6;
	v6 =	vld.idx.msk [tilespmem:v11+s4+$0x0], $0xffff;
	v7 =	vor.u32 s16, v15  }
0x13c: {  	v15 =	vor.u32 $0x42, v1;
	v11 =	vld.idx.msk [tilespmem:v12+s10+$0x0], $0xffff;
	v12 =	vor.u32 $0x41, v3  }
0x13d: {  	v4 =	vadd.f32 v5, v4;
	v5 =	vmul.f32 v14, v10;
	v10 =	vld.idx.msk [tilespmem:v16+s4+$0x0], $0xffff;
	v14 =	vor.u32 s16, v15  }
0x13e: {  	v15 =	vor.u32 $0x42, v3;
	v16 =	vor.u32 $0x43, v1;
	v9 =	vld.idx.msk [tilespmem:v9+s10+$0x0], $0xffff  }
0x13f: {  	v4 =	vadd.f32 v5, v4;
	v5 =	vmul.f32 v13, v8;
	v8 =	vor.u32 s16, v16  }
0x140: {  	v13 =	vor.u32 $0x43, v3;
	v16 =	vor.u32 $0x44, v1;
	v7 =	vld.idx.msk [tilespmem:v7+s4+$0x0], $0xffff  }
0x141: {  	v4 =	vadd.f32 v5, v4;
	v5 =	vmul.f32 v11, v6;
	v6 =	vld.idx.msk [tilespmem:v12+s10+$0x0], $0xffff;
	v11 =	vor.u32 s16, v16  }
0x142: {  	v16 =	vor.u32 $0x45, v1;
	v12 =	vld.idx.msk [tilespmem:v14+s4+$0x0], $0xffff;
	v14 =	vor.u32 $0x44, v3  }
0x143: {  	v4 =	vadd.f32 v5, v4;
	v5 =	vmul.f32 v9, v10;
	v9 =	vld.idx.msk [tilespmem:v15+s10+$0x0], $0xffff;
	v10 =	vor.u32 s16, v16  }
0x144: {  	v15 =	vor.u32 $0x45, v3;
	v16 =	vor.u32 $0x46, v1;
	v8 =	vld.idx.msk [tilespmem:v8+s4+$0x0], $0xffff  }
0x145: {  	v4 =	vadd.f32 v5, v4;
	v5 =	vld.idx.msk [tilespmem:v13+s10+$0x0], $0xffff;
	v13 =	vor.u32 s16, v16  }
0x146: {  	v16 =	vor.u32 $0x47, v1;
	v6 =	vmul.f32 v6, v7;
	v7 =	vld.idx.msk [tilespmem:v11+s4+$0x0], $0xffff;
	v11 =	vor.u32 $0x46, v3  }
0x147: {  	v16 =	vor.u32 s16, v16;
	v14 =	vld.idx.msk [tilespmem:v14+s10+$0x0], $0xffff  }
0x148: {  	v4 =	vadd.f32 v6, v4;
	v6 =	vmul.f32 v9, v12;
	v9 =	vld.idx.msk [tilespmem:v10+s4+$0x0], $0xffff;
	v10 =	vor.u32 $0x47, v3  }
0x149: {  	v12 =	vld.idx.msk [tilespmem:v15+s10+$0x0], $0xffff;
	v15 =	vor.u32 $0x48, v1  }
0x14a: {  	v4 =	vadd.f32 v6, v4;
	v5 =	vmul.f32 v5, v8;
	v6 =	vld.idx.msk [tilespmem:v13+s4+$0x0], $0xffff;
	v8 =	vor.u32 s16, v15  }
0x14b: {  	v13 =	vor.u32 $0x48, v3;
	v15 =	vor.u32 $0x49, v1;
	v11 =	vld.idx.msk [tilespmem:v11+s10+$0x0], $0xffff  }
0x14c: {  	v4 =	vadd.f32 v5, v4;
	v5 =	vmul.f32 v14, v7;
	v7 =	vld.idx.msk [tilespmem:v16+s4+$0x0], $0xffff;
	v14 =	vor.u32 s16, v15  }
0x14d: {  	v15 =	vor.u32 $0x49, v3;
	v16 =	vor.u32 $0x4A, v1;
	v10 =	vld.idx.msk [tilespmem:v10+s10+$0x0], $0xffff  }
0x14e: {  	v4 =	vadd.f32 v5, v4;
	v5 =	vmul.f32 v12, v9;
	v9 =	vor.u32 s16, v16  }
0x14f: {  	v12 =	vor.u32 $0x4A, v3;
	v16 =	vor.u32 $0x4B, v1;
	v8 =	vld.idx.msk [tilespmem:v8+s4+$0x0], $0xffff  }
0x150: {  	v4 =	vadd.f32 v5, v4;
	v5 =	vmul.f32 v11, v6;
	v6 =	vld.idx.msk [tilespmem:v13+s10+$0x0], $0xffff;
	v11 =	vor.u32 s16, v16  }
0x151: {  	v16 =	vor.u32 $0x4C, v1;
	v13 =	vld.idx.msk [tilespmem:v14+s4+$0x0], $0xffff;
	v14 =	vor.u32 $0x4B, v3  }
0x152: {  	v4 =	vadd.f32 v5, v4;
	v5 =	vmul.f32 v10, v7;
	v7 =	vld.idx.msk [tilespmem:v15+s10+$0x0], $0xffff;
	v10 =	vor.u32 s16, v16  }
0x153: {  	v15 =	vor.u32 $0x4C, v3;
	v16 =	vor.u32 $0x4D, v1;
	v9 =	vld.idx.msk [tilespmem:v9+s4+$0x0], $0xffff  }
0x154: {  	v4 =	vadd.f32 v5, v4;
	v5 =	vld.idx.msk [tilespmem:v12+s10+$0x0], $0xffff;
	v12 =	vor.u32 s16, v16  }
0x155: {  	v16 =	vor.u32 $0x4E, v1;
	v6 =	vmul.f32 v6, v8;
	v8 =	vld.idx.msk [tilespmem:v11+s4+$0x0], $0xffff;
	v11 =	vor.u32 $0x4D, v3  }
0x156: {  	v16 =	vor.u32 s16, v16;
	v14 =	vld.idx.msk [tilespmem:v14+s10+$0x0], $0xffff  }
0x157: {  	v4 =	vadd.f32 v6, v4;
	v6 =	vmul.f32 v7, v13;
	v7 =	vld.idx.msk [tilespmem:v10+s4+$0x0], $0xffff;
	v10 =	vor.u32 $0x4E, v3  }
0x158: {  	v13 =	vld.idx.msk [tilespmem:v15+s10+$0x0], $0xffff;
	v15 =	vor.u32 $0x4F, v1  }
0x159: {  	v4 =	vadd.f32 v6, v4;
	v5 =	vmul.f32 v5, v9;
	v6 =	vld.idx.msk [tilespmem:v12+s4+$0x0], $0xffff;
	v9 =	vor.u32 s16, v15  }
0x15a: {  	v12 =	vor.u32 $0x4F, v3;
	v15 =	vor.u32 $0x50, v1;
	v11 =	vld.idx.msk [tilespmem:v11+s10+$0x0], $0xffff  }
0x15b: {  	v4 =	vadd.f32 v5, v4;
	v5 =	vmul.f32 v14, v8;
	v8 =	vld.idx.msk [tilespmem:v16+s4+$0x0], $0xffff;
	v14 =	vor.u32 s16, v15  }
0x15c: {  	v15 =	vor.u32 $0x50, v3;
	v16 =	vor.u32 $0x51, v1;
	v10 =	vld.idx.msk [tilespmem:v10+s10+$0x0], $0xffff  }
0x15d: {  	v4 =	vadd.f32 v5, v4;
	v5 =	vmul.f32 v13, v7;
	v7 =	vor.u32 s16, v16  }
0x15e: {  	v13 =	vor.u32 $0x51, v3;
	v16 =	vor.u32 $0x52, v1;
	v9 =	vld.idx.msk [tilespmem:v9+s4+$0x0], $0xffff  }
0x15f: {  	v4 =	vadd.f32 v5, v4;
	v5 =	vmul.f32 v11, v6;
	v6 =	vld.idx.msk [tilespmem:v12+s10+$0x0], $0xffff;
	v11 =	vor.u32 s16, v16  }
0x160: {  	v16 =	vor.u32 $0x53, v1;
	v12 =	vld.idx.msk [tilespmem:v14+s4+$0x0], $0xffff;
	v14 =	vor.u32 $0x52, v3  }
0x161: {  	v4 =	vadd.f32 v5, v4;
	v5 =	vmul.f32 v10, v8;
	v8 =	vld.idx.msk [tilespmem:v15+s10+$0x0], $0xffff;
	v10 =	vor.u32 s16, v16  }
0x162: {  	v15 =	vor.u32 $0x53, v3;
	v16 =	vor.u32 $0x54, v1;
	v7 =	vld.idx.msk [tilespmem:v7+s4+$0x0], $0xffff  }
0x163: {  	v4 =	vadd.f32 v5, v4;
	v5 =	vld.idx.msk [tilespmem:v13+s10+$0x0], $0xffff;
	v13 =	vor.u32 s16, v16  }
0x164: {  	v16 =	vor.u32 $0x55, v1;
	v6 =	vmul.f32 v6, v9;
	v9 =	vld.idx.msk [tilespmem:v11+s4+$0x0], $0xffff;
	v11 =	vor.u32 $0x54, v3  }
0x165: {  	v16 =	vor.u32 s16, v16;
	v14 =	vld.idx.msk [tilespmem:v14+s10+$0x0], $0xffff  }
0x166: {  	v4 =	vadd.f32 v6, v4;
	v6 =	vmul.f32 v8, v12;
	v8 =	vld.idx.msk [tilespmem:v10+s4+$0x0], $0xffff;
	v10 =	vor.u32 $0x55, v3  }
0x167: {  	v12 =	vld.idx.msk [tilespmem:v15+s10+$0x0], $0xffff;
	v15 =	vor.u32 $0x56, v1  }
0x168: {  	v4 =	vadd.f32 v6, v4;
	v5 =	vmul.f32 v5, v7;
	v6 =	vld.idx.msk [tilespmem:v13+s4+$0x0], $0xffff;
	v7 =	vor.u32 s16, v15  }
0x169: {  	v13 =	vor.u32 $0x56, v3;
	v15 =	vor.u32 $0x57, v1;
	v11 =	vld.idx.msk [tilespmem:v11+s10+$0x0], $0xffff  }
0x16a: {  	v4 =	vadd.f32 v5, v4;
	v5 =	vmul.f32 v14, v9;
	v9 =	vld.idx.msk [tilespmem:v16+s4+$0x0], $0xffff;
	v14 =	vor.u32 s16, v15  }
0x16b: {  	v15 =	vor.u32 $0x57, v3;
	v16 =	vor.u32 $0x58, v1;
	v10 =	vld.idx.msk [tilespmem:v10+s10+$0x0], $0xffff  }
0x16c: {  	v4 =	vadd.f32 v5, v4;
	v5 =	vmul.f32 v12, v8;
	v8 =	vor.u32 s16, v16  }
0x16d: {  	v12 =	vor.u32 $0x58, v3;
	v16 =	vor.u32 $0x59, v1;
	v7 =	vld.idx.msk [tilespmem:v7+s4+$0x0], $0xffff  }
0x16e: {  	v4 =	vadd.f32 v5, v4;
	v5 =	vmul.f32 v11, v6;
	v6 =	vld.idx.msk [tilespmem:v13+s10+$0x0], $0xffff;
	v11 =	vor.u32 s16, v16  }
0x16f: {  	v16 =	vor.u32 $0x5A, v1;
	v13 =	vld.idx.msk [tilespmem:v14+s4+$0x0], $0xffff;
	v14 =	vor.u32 $0x59, v3  }
0x170: {  	v4 =	vadd.f32 v5, v4;
	v5 =	vmul.f32 v10, v9;
	v9 =	vld.idx.msk [tilespmem:v15+s10+$0x0], $0xffff;
	v10 =	vor.u32 s16, v16  }
0x171: {  	v15 =	vor.u32 $0x5A, v3;
	v16 =	vor.u32 $0x5B, v1;
	v8 =	vld.idx.msk [tilespmem:v8+s4+$0x0], $0xffff  }
0x172: {  	v4 =	vadd.f32 v5, v4;
	v5 =	vld.idx.msk [tilespmem:v12+s10+$0x0], $0xffff;
	v12 =	vor.u32 s16, v16  }
0x173: {  	v16 =	vor.u32 $0x5C, v1;
	v6 =	vmul.f32 v6, v7;
	v7 =	vld.idx.msk [tilespmem:v11+s4+$0x0], $0xffff;
	v11 =	vor.u32 $0x5B, v3  }
0x174: {  	v16 =	vor.u32 s16, v16;
	v14 =	vld.idx.msk [tilespmem:v14+s10+$0x0], $0xffff  }
0x175: {  	v4 =	vadd.f32 v6, v4;
	v6 =	vmul.f32 v9, v13;
	v9 =	vld.idx.msk [tilespmem:v10+s4+$0x0], $0xffff;
	v10 =	vor.u32 $0x5C, v3  }
0x176: {  	v13 =	vld.idx.msk [tilespmem:v15+s10+$0x0], $0xffff;
	v15 =	vor.u32 $0x5D, v1  }
0x177: {  	v4 =	vadd.f32 v6, v4;
	v5 =	vmul.f32 v5, v8;
	v6 =	vld.idx.msk [tilespmem:v12+s4+$0x0], $0xffff;
	v8 =	vor.u32 s16, v15  }
0x178: {  	v12 =	vor.u32 $0x5D, v3;
	v15 =	vor.u32 $0x5E, v1;
	v11 =	vld.idx.msk [tilespmem:v11+s10+$0x0], $0xffff  }
0x179: {  	v4 =	vadd.f32 v5, v4;
	v5 =	vmul.f32 v14, v7;
	v7 =	vld.idx.msk [tilespmem:v16+s4+$0x0], $0xffff;
	v14 =	vor.u32 s16, v15  }
0x17a: {  	v15 =	vor.u32 $0x5E, v3;
	v16 =	vor.u32 $0x5F, v1;
	v10 =	vld.idx.msk [tilespmem:v10+s10+$0x0], $0xffff  }
0x17b: {  	v4 =	vadd.f32 v5, v4;
	v5 =	vmul.f32 v13, v9;
	v9 =	vor.u32 s16, v16  }
0x17c: {  	v13 =	vor.u32 $0x5F, v3;
	v16 =	vor.u32 $0x60, v1;
	v8 =	vld.idx.msk [tilespmem:v8+s4+$0x0], $0xffff  }
0x17d: {  	v4 =	vadd.f32 v5, v4;
	v5 =	vmul.f32 v11, v6;
	v6 =	vld.idx.msk [tilespmem:v12+s10+$0x0], $0xffff;
	v11 =	vor.u32 s16, v16  }
0x17e: {  	v16 =	vor.u32 $0x61, v1;
	v12 =	vld.idx.msk [tilespmem:v14+s4+$0x0], $0xffff;
	v14 =	vor.u32 $0x60, v3  }
0x17f: {  	v4 =	vadd.f32 v5, v4;
	v5 =	vmul.f32 v10, v7;
	v7 =	vld.idx.msk [tilespmem:v15+s10+$0x0], $0xffff;
	v10 =	vor.u32 s16, v16  }
0x180: {  	v15 =	vor.u32 $0x61, v3;
	v16 =	vor.u32 $0x62, v1;
	v9 =	vld.idx.msk [tilespmem:v9+s4+$0x0], $0xffff  }
0x181: {  	v4 =	vadd.f32 v5, v4;
	v5 =	vld.idx.msk [tilespmem:v13+s10+$0x0], $0xffff;
	v13 =	vor.u32 s16, v16  }
0x182: {  	v16 =	vor.u32 $0x63, v1;
	v6 =	vmul.f32 v6, v8;
	v8 =	vld.idx.msk [tilespmem:v11+s4+$0x0], $0xffff;
	v11 =	vor.u32 $0x62, v3  }
0x183: {  	v16 =	vor.u32 s16, v16;
	v14 =	vld.idx.msk [tilespmem:v14+s10+$0x0], $0xffff  }
0x184: {  	v4 =	vadd.f32 v6, v4;
	v6 =	vmul.f32 v7, v12;
	v7 =	vld.idx.msk [tilespmem:v10+s4+$0x0], $0xffff;
	v10 =	vor.u32 $0x63, v3  }
0x185: {  	v12 =	vld.idx.msk [tilespmem:v15+s10+$0x0], $0xffff;
	v15 =	vor.u32 $0x64, v1  }
0x186: {  	v4 =	vadd.f32 v6, v4;
	v5 =	vmul.f32 v5, v9;
	v6 =	vld.idx.msk [tilespmem:v13+s4+$0x0], $0xffff;
	v9 =	vor.u32 s16, v15  }
0x187: {  	v13 =	vor.u32 $0x64, v3;
	v15 =	vor.u32 $0x65, v1;
	v11 =	vld.idx.msk [tilespmem:v11+s10+$0x0], $0xffff  }
0x188: {  	v4 =	vadd.f32 v5, v4;
	v5 =	vmul.f32 v14, v8;
	v8 =	vld.idx.msk [tilespmem:v16+s4+$0x0], $0xffff;
	v14 =	vor.u32 s16, v15  }
0x189: {  	v15 =	vor.u32 $0x65, v3;
	v16 =	vor.u32 $0x66, v1;
	v10 =	vld.idx.msk [tilespmem:v10+s10+$0x0], $0xffff  }
0x18a: {  	v4 =	vadd.f32 v5, v4;
	v5 =	vmul.f32 v12, v7;
	v7 =	vor.u32 s16, v16  }
0x18b: {  	v12 =	vor.u32 $0x66, v3;
	v16 =	vor.u32 $0x67, v1;
	v9 =	vld.idx.msk [tilespmem:v9+s4+$0x0], $0xffff  }
0x18c: {  	v4 =	vadd.f32 v5, v4;
	v5 =	vmul.f32 v11, v6;
	v6 =	vld.idx.msk [tilespmem:v13+s10+$0x0], $0xffff;
	v11 =	vor.u32 s16, v16  }
0x18d: {  	v16 =	vor.u32 $0x68, v1;
	v13 =	vld.idx.msk [tilespmem:v14+s4+$0x0], $0xffff;
	v14 =	vor.u32 $0x67, v3  }
0x18e: {  	v4 =	vadd.f32 v5, v4;
	v5 =	vmul.f32 v10, v8;
	v8 =	vld.idx.msk [tilespmem:v15+s10+$0x0], $0xffff;
	v10 =	vor.u32 s16, v16  }
0x18f: {  	v15 =	vor.u32 $0x68, v3;
	v16 =	vor.u32 $0x69, v1;
	v7 =	vld.idx.msk [tilespmem:v7+s4+$0x0], $0xffff  }
0x190: {  	v4 =	vadd.f32 v5, v4;
	v5 =	vld.idx.msk [tilespmem:v12+s10+$0x0], $0xffff;
	v12 =	vor.u32 s16, v16  }
0x191: {  	v16 =	vor.u32 $0x6A, v1;
	v6 =	vmul.f32 v6, v9;
	v9 =	vld.idx.msk [tilespmem:v11+s4+$0x0], $0xffff;
	v11 =	vor.u32 $0x69, v3  }
0x192: {  	v16 =	vor.u32 s16, v16;
	v14 =	vld.idx.msk [tilespmem:v14+s10+$0x0], $0xffff  }
0x193: {  	v4 =	vadd.f32 v6, v4;
	v6 =	vmul.f32 v8, v13;
	v8 =	vld.idx.msk [tilespmem:v10+s4+$0x0], $0xffff;
	v10 =	vor.u32 $0x6A, v3  }
0x194: {  	v13 =	vld.idx.msk [tilespmem:v15+s10+$0x0], $0xffff;
	v15 =	vor.u32 $0x6B, v1  }
0x195: {  	v4 =	vadd.f32 v6, v4;
	v5 =	vmul.f32 v5, v7;
	v6 =	vld.idx.msk [tilespmem:v12+s4+$0x0], $0xffff;
	v7 =	vor.u32 s16, v15  }
0x196: {  	v12 =	vor.u32 $0x6B, v3;
	v15 =	vor.u32 $0x6C, v1;
	v11 =	vld.idx.msk [tilespmem:v11+s10+$0x0], $0xffff  }
0x197: {  	v4 =	vadd.f32 v5, v4;
	v5 =	vmul.f32 v14, v9;
	v9 =	vld.idx.msk [tilespmem:v16+s4+$0x0], $0xffff;
	v14 =	vor.u32 s16, v15  }
0x198: {  	v15 =	vor.u32 $0x6C, v3;
	v16 =	vor.u32 $0x6D, v1;
	v10 =	vld.idx.msk [tilespmem:v10+s10+$0x0], $0xffff  }
0x199: {  	v4 =	vadd.f32 v5, v4;
	v5 =	vmul.f32 v13, v8;
	v8 =	vor.u32 s16, v16  }
0x19a: {  	v13 =	vor.u32 $0x6D, v3;
	v16 =	vor.u32 $0x6E, v1;
	v7 =	vld.idx.msk [tilespmem:v7+s4+$0x0], $0xffff  }
0x19b: {  	v4 =	vadd.f32 v5, v4;
	v5 =	vmul.f32 v11, v6;
	v6 =	vld.idx.msk [tilespmem:v12+s10+$0x0], $0xffff;
	v11 =	vor.u32 s16, v16  }
0x19c: {  	v16 =	vor.u32 $0x6F, v1;
	v12 =	vld.idx.msk [tilespmem:v14+s4+$0x0], $0xffff;
	v14 =	vor.u32 $0x6E, v3  }
0x19d: {  	v4 =	vadd.f32 v5, v4;
	v5 =	vmul.f32 v10, v9;
	v9 =	vld.idx.msk [tilespmem:v15+s10+$0x0], $0xffff;
	v10 =	vor.u32 s16, v16  }
0x19e: {  	v15 =	vor.u32 $0x6F, v3;
	v16 =	vor.u32 $0x70, v1;
	v8 =	vld.idx.msk [tilespmem:v8+s4+$0x0], $0xffff  }
0x19f: {  	v4 =	vadd.f32 v5, v4;
	v5 =	vld.idx.msk [tilespmem:v13+s10+$0x0], $0xffff;
	v13 =	vor.u32 s16, v16  }
0x1a0: {  	v16 =	vor.u32 $0x71, v1;
	v6 =	vmul.f32 v6, v7;
	v7 =	vld.idx.msk [tilespmem:v11+s4+$0x0], $0xffff;
	v11 =	vor.u32 $0x70, v3  }
0x1a1: {  	v16 =	vor.u32 s16, v16;
	v14 =	vld.idx.msk [tilespmem:v14+s10+$0x0], $0xffff  }
0x1a2: {  	v4 =	vadd.f32 v6, v4;
	v6 =	vmul.f32 v9, v12;
	v9 =	vld.idx.msk [tilespmem:v10+s4+$0x0], $0xffff;
	v10 =	vor.u32 $0x71, v3  }
0x1a3: {  	v12 =	vld.idx.msk [tilespmem:v15+s10+$0x0], $0xffff;
	v15 =	vor.u32 $0x72, v1  }
0x1a4: {  	v4 =	vadd.f32 v6, v4;
	v5 =	vmul.f32 v5, v8;
	v6 =	vld.idx.msk [tilespmem:v13+s4+$0x0], $0xffff;
	v8 =	vor.u32 s16, v15  }
0x1a5: {  	v13 =	vor.u32 $0x72, v3;
	v15 =	vor.u32 $0x73, v1;
	v11 =	vld.idx.msk [tilespmem:v11+s10+$0x0], $0xffff  }
0x1a6: {  	v4 =	vadd.f32 v5, v4;
	v5 =	vmul.f32 v14, v7;
	v7 =	vld.idx.msk [tilespmem:v16+s4+$0x0], $0xffff;
	v14 =	vor.u32 s16, v15  }
0x1a7: {  	v15 =	vor.u32 $0x73, v3;
	v16 =	vor.u32 $0x74, v1;
	v10 =	vld.idx.msk [tilespmem:v10+s10+$0x0], $0xffff  }
0x1a8: {  	v4 =	vadd.f32 v5, v4;
	v5 =	vmul.f32 v12, v9;
	v9 =	vor.u32 s16, v16  }
0x1a9: {  	v12 =	vor.u32 $0x74, v3;
	v16 =	vor.u32 $0x75, v1;
	v8 =	vld.idx.msk [tilespmem:v8+s4+$0x0], $0xffff  }
0x1aa: {  	v4 =	vadd.f32 v5, v4;
	v5 =	vmul.f32 v11, v6;
	v6 =	vld.idx.msk [tilespmem:v13+s10+$0x0], $0xffff;
	v11 =	vor.u32 s16, v16  }
0x1ab: {  	v16 =	vor.u32 $0x76, v1;
	v13 =	vld.idx.msk [tilespmem:v14+s4+$0x0], $0xffff;
	v14 =	vor.u32 $0x75, v3  }
0x1ac: {  	v4 =	vadd.f32 v5, v4;
	v5 =	vmul.f32 v10, v7;
	v7 =	vld.idx.msk [tilespmem:v15+s10+$0x0], $0xffff;
	v10 =	vor.u32 s16, v16  }
0x1ad: {  	v15 =	vor.u32 $0x76, v3;
	v16 =	vor.u32 $0x77, v1;
	v9 =	vld.idx.msk [tilespmem:v9+s4+$0x0], $0xffff  }
0x1ae: {  	v4 =	vadd.f32 v5, v4;
	v5 =	vld.idx.msk [tilespmem:v12+s10+$0x0], $0xffff;
	v12 =	vor.u32 s16, v16  }
0x1af: {  	v16 =	vor.u32 $0x78, v1;
	v6 =	vmul.f32 v6, v8;
	v8 =	vld.idx.msk [tilespmem:v11+s4+$0x0], $0xffff;
	v11 =	vor.u32 $0x77, v3  }
0x1b0: {  	v16 =	vor.u32 s16, v16;
	v14 =	vld.idx.msk [tilespmem:v14+s10+$0x0], $0xffff  }
0x1b1: {  	v4 =	vadd.f32 v6, v4;
	v6 =	vmul.f32 v7, v13;
	v7 =	vld.idx.msk [tilespmem:v10+s4+$0x0], $0xffff;
	v10 =	vor.u32 $0x78, v3  }
0x1b2: {  	v13 =	vld.idx.msk [tilespmem:v15+s10+$0x0], $0xffff;
	v15 =	vor.u32 $0x79, v1  }
0x1b3: {  	v4 =	vadd.f32 v6, v4;
	v5 =	vmul.f32 v5, v9;
	v6 =	vld.idx.msk [tilespmem:v12+s4+$0x0], $0xffff;
	v9 =	vor.u32 s16, v15  }
0x1b4: {  	v12 =	vor.u32 $0x79, v3;
	v15 =	vor.u32 $0x7A, v1;
	v11 =	vld.idx.msk [tilespmem:v11+s10+$0x0], $0xffff  }
0x1b5: {  	v4 =	vadd.f32 v5, v4;
	v5 =	vmul.f32 v14, v8;
	v8 =	vld.idx.msk [tilespmem:v16+s4+$0x0], $0xffff;
	v14 =	vor.u32 s16, v15  }
0x1b6: {  	v15 =	vor.u32 $0x7A, v3;
	v16 =	vor.u32 $0x7B, v1;
	v10 =	vld.idx.msk [tilespmem:v10+s10+$0x0], $0xffff  }
0x1b7: {  	v4 =	vadd.f32 v5, v4;
	v5 =	vmul.f32 v13, v7;
	v7 =	vor.u32 s16, v16  }
0x1b8: {  	v13 =	vor.u32 $0x7B, v3;
	v16 =	vor.u32 $0x7C, v1;
	v9 =	vld.idx.msk [tilespmem:v9+s4+$0x0], $0xffff  }
0x1b9: {  	v4 =	vadd.f32 v5, v4;
	v5 =	vmul.f32 v11, v6;
	v6 =	vld.idx.msk [tilespmem:v12+s10+$0x0], $0xffff;
	v11 =	vor.u32 s16, v16  }
0x1ba: {  	v16 =	vor.u32 $0x7D, v1;
	v12 =	vld.idx.msk [tilespmem:v14+s4+$0x0], $0xffff;
	v14 =	vor.u32 $0x7C, v3  }
0x1bb: {  	v4 =	vadd.f32 v5, v4;
	v5 =	vmul.f32 v10, v8;
	v8 =	vld.idx.msk [tilespmem:v15+s10+$0x0], $0xffff;
	v10 =	vor.u32 s16, v16  }
0x1bc: {  	v15 =	vor.u32 $0x7D, v3;
	v16 =	vor.u32 $0x7E, v1;
	v7 =	vld.idx.msk [tilespmem:v7+s4+$0x0], $0xffff  }
0x1bd: {  	v4 =	vadd.f32 v5, v4;
	v5 =	vld.idx.msk [tilespmem:v13+s10+$0x0], $0xffff;
	v13 =	vor.u32 s16, v16  }
0x1be: {  	v16 =	vor.u32 $0x7F, v1;
	v6 =	vmul.f32 v6, v9;
	v9 =	vld.idx.msk [tilespmem:v11+s4+$0x0], $0xffff;
	v11 =	vor.u32 $0x7E, v3  }
0x1bf: {  	v16 =	vor.u32 s16, v16;
	v14 =	vld.idx.msk [tilespmem:v14+s10+$0x0], $0xffff  }
0x1c0: {  	v3 =	vor.u32 $0x7F, v3;
	v4 =	vadd.f32 v6, v4;
	v12 =	vmul.f32 v8, v12;
	v8 =	vld.idx.msk [tilespmem:v10+s4+$0x0], $0xffff  }
0x1c1: {  	v10 =	vld.idx.msk [tilespmem:v15+s10+$0x0], $0xffff  }
0x1c2: {  	v4 =	vadd.f32 v12, v4;
	v5 =	vmul.f32 v5, v7;
	v6 =	vld.idx.msk [tilespmem:v13+s4+$0x0], $0xffff  }
0x1c3: {  	v7 =	vld.idx.msk [tilespmem:v11+s10+$0x0], $0xffff  }
0x1c4: {  	v12 =	vld.idx.msk [tilespmem:v16+s4+$0x0], $0xffff;
	v4 =	vadd.f32 v5, v4;
	v14 =	vmul.f32 v14, v9  }
0x1c5: {  	v3 =	vld.idx.msk [tilespmem:v3+s10+$0x0], $0xffff  }
0x1c6: {  	v13 =	vmul.f32 v10, v8;
	v4 =	vadd.f32 v14, v4;
	_ =	sdelay $0x1  }
0x1c7: {  	v4 =	vadd.f32 v13, v4;
	v14 =	vmul.f32 v7, v6  }
0x1c8: {  	v63 =	vld.idx.msk [tilespmem:v63+s11+$0x0], $0xffff  }
0x1c9: {  	v3 =	vmul.f32 v3, v12;
	v4 =	vadd.f32 v14, v4  }
0x1ca: {  	p0 =	sne.s32 s16, $0xF800  }
.Ltmp0:
0x1cb: {  	v3 =	vadd.f32 v3, v4;
	(pc) =	sbr.rel @p0 .LBB2_2-.Ltmp0, $3  }
0x1cc: {  	_ = 	snop  }
0x1cd: {  	v3 =	vadd.f32 v3, v63;
	_ =	sdelay $0x1  }
0x1ce: {  	s14 =	sadd.s32 $0x10, s14;
	s16 =	sadd.s32 $0x800, s16;
	[tilespmem:s15+$0x0] =	vst v3;
	s15 =	sadd.s32 $0x10, s15  }
0x1cf: {  	s13 =	sadd.s32 $0x1, s13  }
0x1d0: {  	p0 =	sne.s32 s13, s8  }
.Ltmp1:
0x1d1: {  	s0 =	simm.s32 $0x10780;
	(pc) =	sbr.rel @p0 .LBB2_1-.Ltmp1, $4  }
0x1d2: {  	[hbm4b:s7+s4] =	stream.linear.scatter [tilespmem:s0], [sflag:$0x1], $0x200, $0x38;
	[tilespmem:$0x10980] =	vst v63  }
0x1d3: {  	_ =	swait.ge [sflag:s9], $0x200  }
0x1d4: {  	[sflag:s9] =	ssyncset.done $0x0  }
0x1d5: {  	[sflag:s9] =	ssyncadd.s32 $0xFFFFFE00  }
0x1d6: {  	_ =	sfence.sel $0x180000  }
0x1d7: {  	[bflag:$0x0] =	sbarrier.arrive $0xFFFF  }
0x1d8: {  	_ =	strace $0x90000047  }
0x1d9: {  	s0 =	stileid.u32;
	[bflag:$0x2] =	sbarrier.arrive $0xFFFF  }
0x1da: {  	p0 =	sne.s32 s0, $0x0;
	s0 =	rddreg [dreg:$0x5]  }
0x1db: {  	s0 =	sadd.s32 @!p0 $0x100000, s0  }
0x1dc: {  	[sflag:s0] =	ssyncadd.tile.s32 @!p0 $0x1;
	_ =	shalt  }
.Lfunc_end2:
_tile_overlayer_lowered:
.L_overlay_start_2:
0x1dd: {  	(tag) =	ssettag $0x2  }
0x1de: {  	s0 =	rddreg [dreg:$0x0];
	s2 =	stileid.u32  }
0x1df: {  	s1 =	rddreg [dreg:$0x1];
	p0 =	sne.s32 s2, $0x0  }
0x1e0: {  	s3 =	rddreg [dreg:$0x2];
	[bflag:$0x3] =	sbarrier.arrive $0xFFFF;
	s2 =	simm.s32 @!p0 $0x1C01  }
0x1e1: {  	[timem:s3], [sflag:s2] =	dma.local @!p0 [hbm:s0], s1  }
0x1e2: {  	s0 =	simm.s32 @!p0 $0x1  }
0x1e3: {  	_ =	swait.ge @!p0 [sflag:s0], s1  }
0x1e4: {  	s1 =	ssub.s32 @!p0 $0x0, s1;
	[sflag:s0] =	ssyncset.done @!p0 $0x0  }
0x1e5: {  	[sflag:s0] =	ssyncadd.s32 @!p0 s1  }
0x1e6: {  	[bflag:$0x3] =	sbarrier.arrive $0xFFFF  }
0x1e7: {  	_ =	shalt  }

</sc_bundles>
